<compile_context>
chip_gen: v7x
topology: tpu7x:2x2x1
jax: 0.10.2.dev20260603
libtpu: 0.0.44.dev20260713+nightly
codegen_flags: <defaults>
</compile_context>

<pallas_src>
import functools

import jax
import jax.numpy as jnp
from jax import lax
from jax.experimental import pallas as pl
from jax.experimental.pallas import tpu as pltpu
from jax.experimental.pallas import tpu_sc as plsc

N = 10000
E = 320000
D_IN = 128
HID = 64
NCLS = 40
F2 = 48

NC = 2
NS = 16
NW = NC * NS

CHUNK = 128
NCHUNK = 80
EPAD = NW * NCHUNK * CHUNK
NPAD = 10240
ROWS_PER_TILE = NPAD // NS

_MESH = plsc.VectorSubcoreMesh(
    core_axis_name="c", subcore_axis_name="s", num_cores=NC, num_subcores=NS
)


def _fill_rows(buf, f, val):
    def body(i, _):
        for k in range(f // 16):
            buf[i, pl.ds(k * 16, 16)] = jnp.full((16,), val, jnp.float32)
        return 0
    lax.fori_loop(0, CHUNK, body, 0)


def _deg_body(dst_hbm, out_hbm, dstv, onesv, accum, sem):
    c = lax.axis_index("c")
    s = lax.axis_index("s")
    wid = c * NS + s

    _fill_rows(onesv, 16, 0.0)

    def zloop(i, _):
        pltpu.sync_copy(onesv, accum.at[pl.ds(s * ROWS_PER_TILE + i * CHUNK, CHUNK)])
        return 0
    lax.fori_loop(0, ROWS_PER_TILE // CHUNK, zloop, 0)

    _fill_rows(onesv, 16, 1.0)
    pltpu.sync_copy(dst_hbm.at[wid], dstv)
    plsc.subcore_barrier()

    def body(j, _):
        pltpu.sync_copy(onesv, accum.at[dstv.at[j]], add=True)
        return 0
    lax.fori_loop(0, NCHUNK, body, 0)

    plsc.subcore_barrier()
    pltpu.sync_copy(
        accum.at[pl.ds(s * ROWS_PER_TILE, ROWS_PER_TILE)],
        out_hbm.at[c, pl.ds(s * ROWS_PER_TILE, ROWS_PER_TILE)],
    )


_deg_kernel = pl.kernel(
    _deg_body,
    out_type=jax.ShapeDtypeStruct((NC, NPAD, 16), jnp.float32),
    mesh=_MESH,
    compiler_params=pltpu.CompilerParams(use_tc_tiling_on_sc=False),
    scratch_types=[
        pltpu.VMEM((NCHUNK, CHUNK), jnp.int32),
        pltpu.VMEM((CHUNK, 16), jnp.float32),
        pltpu.VMEM_SHARED((NPAD, 16), jnp.float32),
        pltpu.SemaphoreType.DMA,
    ],
)


def _make_scatter_kernel(f, split, nbuf=4, lookahead=2):
    use_tbl = split > 0
    NBUF, LOOKAHEAD = nbuf, lookahead

    def body(table_hbm, src_hbm, dst_hbm, out_hbm, *scr):
        srcv, dstv = scr[0], scr[1]
        rows = list(scr[2:2 + NBUF])
        accum = scr[2 + NBUF]
        idx = 3 + NBUF
        if use_tbl:
            tbl = scr[idx]
            idx += 1
        gsem = list(scr[idx:idx + NBUF])
        ssem = list(scr[idx + NBUF:idx + 2 * NBUF])
        isem0, isem1 = scr[idx + 2 * NBUF], scr[idx + 2 * NBUF + 1]
        if use_tbl:
            tsem = scr[idx + 2 * NBUF + 2]
        c = lax.axis_index("c")
        s = lax.axis_index("s")
        wid = c * NS + s
        tsl = pl.ds(s * (N // NS), N // NS)

        def src_of(b):
            return tbl if (use_tbl and b < split) else table_hbm

        if use_tbl:
            pltpu.async_copy(table_hbm.at[tsl], tbl.at[tsl], tsem)
        pltpu.async_copy(src_hbm.at[wid], srcv, isem0)
        pltpu.async_copy(dst_hbm.at[wid], dstv, isem1)

        _fill_rows(rows[0], f, 0.0)

        def zloop(i, _):
            pltpu.sync_copy(rows[0], accum.at[pl.ds(s * ROWS_PER_TILE + i * CHUNK, CHUNK)])
            return 0
        lax.fori_loop(0, ROWS_PER_TILE // CHUNK, zloop, 0)

        if use_tbl:
            pltpu.make_async_copy(table_hbm.at[tsl], tbl.at[tsl], tsem).wait()
        pltpu.make_async_copy(src_hbm.at[wid], srcv, isem0).wait()
        pltpu.make_async_copy(dst_hbm.at[wid], dstv, isem1).wait()
        plsc.subcore_barrier()

        for b in range(LOOKAHEAD):
            pltpu.async_copy(src_of(b).at[srcv.at[b]], rows[b], gsem[b])

        def body_loop(i, _):
            for b in range(NBUF):
                j = i * NBUF + b
                pb = (b + LOOKAHEAD) % NBUF

                @pl.when(j + LOOKAHEAD < NCHUNK)
                def _():
                    @pl.when(j - LOOKAHEAD >= 0)
                    def _():
                        pltpu.make_async_copy(
                            rows[pb], accum.at[dstv.at[j]], ssem[pb]).wait()
                    pltpu.async_copy(
                        src_of(pb).at[srcv.at[j + LOOKAHEAD]], rows[pb], gsem[pb])

                pltpu.make_async_copy(src_of(b).at[srcv.at[j]], rows[b], gsem[b]).wait()
                pltpu.async_copy(rows[b], accum.at[dstv.at[j]], ssem[b], add=True)
            return 0
        lax.fori_loop(0, NCHUNK // NBUF, body_loop, 0)

        for b in range(NBUF):
            pltpu.make_async_copy(rows[b], accum.at[dstv.at[0]], ssem[b]).wait()

        plsc.subcore_barrier()
        pltpu.sync_copy(
            accum.at[pl.ds(s * ROWS_PER_TILE, ROWS_PER_TILE)],
            out_hbm.at[c, pl.ds(s * ROWS_PER_TILE, ROWS_PER_TILE)],
        )

    scratch = [
        pltpu.VMEM((NCHUNK, CHUNK), jnp.int32),
        pltpu.VMEM((NCHUNK, CHUNK), jnp.int32),
    ] + [
        pltpu.VMEM((CHUNK, f), jnp.float32) for _ in range(NBUF)
    ] + [
        pltpu.VMEM_SHARED((NPAD, f), jnp.float32),
    ]
    if use_tbl:
        scratch.append(pltpu.VMEM_SHARED((N, f), jnp.float32))
    nsem = 2 * NBUF + 2 + (1 if use_tbl else 0)
    return pl.kernel(
        body,
        out_type=jax.ShapeDtypeStruct((NC, NPAD, f), jnp.float32),
        mesh=_MESH,
        compiler_params=pltpu.CompilerParams(use_tc_tiling_on_sc=False),
        scratch_types=scratch + [pltpu.SemaphoreType.DMA] * nsem,
    )


_scatter_hid = _make_scatter_kernel(HID, 2, nbuf=2, lookahead=1)
_scatter_f2 = _make_scatter_kernel(F2, 4)


RBLK = 2000
GRID = N // RBLK


def _dinv_from(degp_ref):
    deg = degp_ref[0, :, 0:1] + degp_ref[1, :, 0:1] + 1.0
    return lax.rsqrt(deg)


def _tc1_body(x_ref, w1_ref, degp_ref, g1_ref):
    dinv = _dinv_from(degp_ref)
    h = jnp.dot(x_ref[...], w1_ref[...], preferred_element_type=jnp.float32)
    g1_ref[...] = h * dinv


_tc1 = pl.pallas_call(
    _tc1_body,
    grid=(GRID,),
    in_specs=[
        pl.BlockSpec((RBLK, D_IN), lambda i: (i, 0)),
        pl.BlockSpec((D_IN, HID), lambda i: (0, 0)),
        pl.BlockSpec((NC, RBLK, 16), lambda i: (0, i, 0)),
    ],
    out_specs=pl.BlockSpec((RBLK, HID), lambda i: (i, 0)),
    out_shape=jax.ShapeDtypeStruct((N, HID), jnp.float32),
)


def _tc2_body(p_ref, g1_ref, degp_ref, b1_ref, w2_ref, g2_ref):
    dinv = _dinv_from(degp_ref)
    agg = p_ref[0] + p_ref[1] + g1_ref[...]
    h1 = jnp.maximum(dinv * agg + b1_ref[...], 0.0)
    h2 = jnp.dot(h1, w2_ref[...], preferred_element_type=jnp.float32)
    g2_ref[...] = h2 * dinv


_tc2 = pl.pallas_call(
    _tc2_body,
    grid=(GRID,),
    in_specs=[
        pl.BlockSpec((NC, RBLK, HID), lambda i: (0, i, 0)),
        pl.BlockSpec((RBLK, HID), lambda i: (i, 0)),
        pl.BlockSpec((NC, RBLK, 16), lambda i: (0, i, 0)),
        pl.BlockSpec((1, HID), lambda i: (0, 0)),
        pl.BlockSpec((HID, F2), lambda i: (0, 0)),
    ],
    out_specs=pl.BlockSpec((RBLK, F2), lambda i: (i, 0)),
    out_shape=jax.ShapeDtypeStruct((N, F2), jnp.float32),
)


def _tc3_body(p_ref, g2_ref, degp_ref, b2_ref, out_ref):
    dinv = _dinv_from(degp_ref)
    z = dinv * (p_ref[0] + p_ref[1] + g2_ref[...]) + b2_ref[...]
    z = z[:, :NCLS]
    m = jnp.max(z, axis=1, keepdims=True)
    zs = z - m
    out_ref[...] = zs - jnp.log(jnp.sum(jnp.exp(zs), axis=1, keepdims=True))


_tc3 = pl.pallas_call(
    _tc3_body,
    grid=(GRID,),
    in_specs=[
        pl.BlockSpec((NC, RBLK, F2), lambda i: (0, i, 0)),
        pl.BlockSpec((RBLK, F2), lambda i: (i, 0)),
        pl.BlockSpec((NC, RBLK, 16), lambda i: (0, i, 0)),
        pl.BlockSpec((1, F2), lambda i: (0, 0)),
    ],
    out_specs=pl.BlockSpec((RBLK, NCLS), lambda i: (i, 0)),
    out_shape=jax.ShapeDtypeStruct((N, NCLS), jnp.float32),
)


@jax.jit
def kernel(x, edge_index, W1, b1, W2, b2):
    src = edge_index[0].astype(jnp.int32)
    dst = edge_index[1].astype(jnp.int32)
    pad_dst = N + jnp.arange(EPAD - E, dtype=jnp.int32) % (NPAD - N)
    src_p = jnp.concatenate([src, jnp.zeros((EPAD - E,), jnp.int32)])
    dst_p = jnp.concatenate([dst, pad_dst])
    src_r = src_p.reshape(NW, NCHUNK, CHUNK)
    dst_r = dst_p.reshape(NW, NCHUNK, CHUNK)

    w2p = jnp.pad(W2, ((0, 0), (0, F2 - NCLS)))
    b1r = b1.reshape(1, HID)
    b2r = jnp.pad(b2, (0, F2 - NCLS)).reshape(1, F2)

    degp = _deg_kernel(dst_r)
    g1 = _tc1(x, W1, degp)
    p1 = _scatter_hid(g1, src_r, dst_r)
    g2 = _tc2(p1, g1, degp, b1r, w2p)
    p2 = _scatter_f2(g2, src_r, dst_r)
    return _tc3(p2, g2, degp, b2r)

# --- scband reference (transcript-rebuilt; emitter-appended) ---
"""Pipeline reference for scband-gcn-2903397892892 (READ-ONLY COPY).

The authoritative reference and input builder live on the scoring server;
editing this copy changes nothing except your own understanding.
"""

import jax, jax.numpy as jnp
import numpy as np

N = 10000
E = 320000
D_IN = 128
HID = 64
NCLS = 40


def setup_inputs(seed: int = 0) -> dict:
    key = jax.random.key(seed)
    k1, k2, k3, k4 = jax.random.split(key, 4)
    x = jax.random.normal(k1, (N, D_IN), dtype=jnp.float32)
    edge_index = jax.random.randint(k2, (2, E), 0, N)
    W1 = jax.random.normal(k3, (D_IN, HID), dtype=jnp.float32) / np.sqrt(D_IN)
    b1 = jnp.zeros((HID,), dtype=jnp.float32)
    W2 = jax.random.normal(k4, (HID, NCLS), dtype=jnp.float32) / np.sqrt(HID)
    b2 = jnp.zeros((NCLS,), dtype=jnp.float32)
    return {"x": x, "edge_index": edge_index, "W1": W1, "b1": b1, "W2": W2, "b2": b2}


def _gcn_conv(x, W, b, src, dst, n):
    # GCNConv: linear transform, symmetric normalization with self-loops, scatter-add aggregate
    h = x @ W
    deg = jnp.zeros((n,), dtype=x.dtype).at[dst].add(jnp.ones_like(dst, dtype=x.dtype))
    dinv = jnp.where(deg > 0, deg ** -0.5, 0.0)
    norm = dinv[src] * dinv[dst]
    msg = h[src] * norm[:, None]
    out = jnp.zeros((n, W.shape[1]), dtype=x.dtype).at[dst].add(msg)
    return out + b


def reference(x, edge_index, W1, b1, W2, b2):
    n = x.shape[0]
    loop = jnp.arange(n, dtype=edge_index.dtype)
    src = jnp.concatenate([edge_index[0], loop])
    dst = jnp.concatenate([edge_index[1], loop])
    h = _gcn_conv(x, W1, b1, src, dst, n)
    h = jax.nn.relu(h)
    # dropout is identity in eval mode (training=False)
    h = _gcn_conv(h, W2, b2, src, dst, n)
    return jax.nn.log_softmax(h, axis=1)

if __name__ == "__main__":
    import jax
    _d = setup_inputs()
    print(jax.jit(kernel)(*tuple(_d.values())))

</pallas_src>

<mosaic_0001>
#map = affine_map<(d0, d1) -> (0, 0)>
#map1 = affine_map<(d0, d1) -> (0, 0, 0)>
module attributes {stable_mosaic.version = 14 : i64} {
  func.func @body(%arg0: i32, %arg1: i32, %arg2: memref<10000x48xf32, #tpu.memory_space<hbm>>, %arg3: memref<32x80x128xi32, #tpu.memory_space<hbm>>, %arg4: memref<32x80x128xi32, #tpu.memory_space<hbm>>, %arg5: memref<2x10240x48xf32, #tpu.memory_space<hbm>>, %arg6: memref<80x128xi32, #tpu.memory_space<vmem>>, %arg7: memref<80x128xi32, #tpu.memory_space<vmem>>, %arg8: memref<128x48xf32, #tpu.memory_space<vmem>>, %arg9: memref<128x48xf32, #tpu.memory_space<vmem>>, %arg10: memref<128x48xf32, #tpu.memory_space<vmem>>, %arg11: memref<128x48xf32, #tpu.memory_space<vmem>>, %arg12: memref<10240x48xf32, #tpu.memory_space<vmem_shared>>, %arg13: memref<10000x48xf32, #tpu.memory_space<vmem_shared>>, %arg14: memref<!tpu.dma_semaphore, #tpu.memory_space<semaphore_mem>>, %arg15: memref<!tpu.dma_semaphore, #tpu.memory_space<semaphore_mem>>, %arg16: memref<!tpu.dma_semaphore, #tpu.memory_space<semaphore_mem>>, %arg17: memref<!tpu.dma_semaphore, #tpu.memory_space<semaphore_mem>>, %arg18: memref<!tpu.dma_semaphore, #tpu.memory_space<semaphore_mem>>, %arg19: memref<!tpu.dma_semaphore, #tpu.memory_space<semaphore_mem>>, %arg20: memref<!tpu.dma_semaphore, #tpu.memory_space<semaphore_mem>>, %arg21: memref<!tpu.dma_semaphore, #tpu.memory_space<semaphore_mem>>, %arg22: memref<!tpu.dma_semaphore, #tpu.memory_space<semaphore_mem>>, %arg23: memref<!tpu.dma_semaphore, #tpu.memory_space<semaphore_mem>>, %arg24: memref<!tpu.dma_semaphore, #tpu.memory_space<semaphore_mem>>) attributes {dimension_semantics = [#tpu.dimension_semantics<core_parallel>, #tpu.dimension_semantics<subcore_parallel>], iteration_bounds = array<i64: 2, 16>, scalar_prefetch = 0 : i64, scratch_operands = 19 : i64, tpu.core_type = #tpu.core_type<sc_vector_subcore>, window_params = [{transform_indices = #map}, {transform_indices = #map1}, {transform_indices = #map1}, {transform_indices = #map1}]} {
    %mul3A = arith.constant 16 : i32
    %mul3A_0 = arith.muli %arg0, %mul3A : i32
    %add3A = arith.addi %mul3A_0, %arg1 : i32
    %mul3A_1 = arith.constant 625 : i32
    %mul3A_2 = arith.muli %arg1, %mul3A_1 : i32
    %dma_start3A = arith.constant 0 : i32
    %dma_start3A_3 = tpu.memref_slice %arg13[%mul3A_2, %dma_start3A] : memref<10000x48xf32, #tpu.memory_space<vmem_shared>> -> memref<625x48xf32, #tpu.memory_space<vmem_shared>>
    %dma_start3A_4 = arith.constant 0 : i32
    %dma_start3A_5 = tpu.memref_slice %arg2[%mul3A_2, %dma_start3A_4] : memref<10000x48xf32, #tpu.memory_space<hbm>> -> memref<625x48xf32, #tpu.memory_space<hbm>>
    tpu.enqueue_dma source(%dma_start3A_5 : memref<625x48xf32, #tpu.memory_space<hbm>>) target(%dma_start3A_3 : memref<625x48xf32, #tpu.memory_space<vmem_shared>>) target_semaphore(%arg24 : memref<!tpu.dma_semaphore, #tpu.memory_space<semaphore_mem>>)
    %dma_start3A_6 = arith.constant 0 : i32
    %dma_start3A_7 = arith.constant 0 : i32
    %dma_start3A_8 = tpu.memref_slice %arg3[%add3A, %dma_start3A_6, %dma_start3A_7] : memref<32x80x128xi32, #tpu.memory_space<hbm>> -> memref<1x80x128xi32, #tpu.memory_space<hbm>>
    %dma_start3A_9 = tpu.memref_squeeze %dma_start3A_8 : memref<1x80x128xi32, #tpu.memory_space<hbm>> -> memref<80x128xi32, #tpu.memory_space<hbm>>
    %dma_start3A_10 = arith.constant 0 : i32
    %dma_start3A_11 = arith.constant 0 : i32
    %dma_start3A_12 = tpu.memref_slice %arg3[%add3A, %dma_start3A_10, %dma_start3A_11] : memref<32x80x128xi32, #tpu.memory_space<hbm>> -> memref<1x80x128xi32, #tpu.memory_space<hbm>>
    %dma_start3A_13 = tpu.memref_squeeze %dma_start3A_12 : memref<1x80x128xi32, #tpu.memory_space<hbm>> -> memref<80x128xi32, #tpu.memory_space<hbm>>
    tpu.enqueue_dma source(%dma_start3A_13 : memref<80x128xi32, #tpu.memory_space<hbm>>) target(%arg6 : memref<80x128xi32, #tpu.memory_space<vmem>>) target_semaphore(%arg22 : memref<!tpu.dma_semaphore, #tpu.memory_space<semaphore_mem>>)
    %dma_start3A_14 = arith.constant 0 : i32
    %dma_start3A_15 = arith.constant 0 : i32
    %dma_start3A_16 = tpu.memref_slice %arg4[%add3A, %dma_start3A_14, %dma_start3A_15] : memref<32x80x128xi32, #tpu.memory_space<hbm>> -> memref<1x80x128xi32, #tpu.memory_space<hbm>>
    %dma_start3A_17 = tpu.memref_squeeze %dma_start3A_16 : memref<1x80x128xi32, #tpu.memory_space<hbm>> -> memref<80x128xi32, #tpu.memory_space<hbm>>
    %dma_start3A_18 = arith.constant 0 : i32
    %dma_start3A_19 = arith.constant 0 : i32
    %dma_start3A_20 = tpu.memref_slice %arg4[%add3A, %dma_start3A_18, %dma_start3A_19] : memref<32x80x128xi32, #tpu.memory_space<hbm>> -> memref<1x80x128xi32, #tpu.memory_space<hbm>>
    %dma_start3A_21 = tpu.memref_squeeze %dma_start3A_20 : memref<1x80x128xi32, #tpu.memory_space<hbm>> -> memref<80x128xi32, #tpu.memory_space<hbm>>
    tpu.enqueue_dma source(%dma_start3A_21 : memref<80x128xi32, #tpu.memory_space<hbm>>) target(%arg7 : memref<80x128xi32, #tpu.memory_space<vmem>>) target_semaphore(%arg23 : memref<!tpu.dma_semaphore, #tpu.memory_space<semaphore_mem>>)
    %scan3A = arith.constant 0 : i32
    %scan3A_22 = arith.constant 0 : i32
    %scan3A_23 = arith.constant 128 : i32
    %scan3A_24 = arith.addi %scan3A_22, %scan3A_23 : i32
    %scan3A_25 = arith.constant 1 : i32
    %scan3A_26 = scf.for %scan3A_108 = %scan3A_22 to %scan3A_24 step %scan3A_25 iter_args(%scan3A_109 = %scan3A) -> (i32)  : i32 {
      %broadcast_in_dim3A = arith.constant 0.000000e+00 : f32
      %broadcast_in_dim3A_110 = vector.broadcast %broadcast_in_dim3A : f32 to vector<16xf32>
      %swap3A = arith.index_cast %scan3A_108 : i32 to index
      %swap3A_111 = arith.constant 0 : index
      %swap3A_112 = tpu.vector_load %arg8[%swap3A, %swap3A_111] {strides = array<i32>} : memref<128x48xf32, #tpu.memory_space<vmem>>, vector<1x16xf32>,
      %swap3A_113 = vector.shape_cast %swap3A_112 : vector<1x16xf32> to vector<16xf32>
      %swap3A_114 = vector.shape_cast %broadcast_in_dim3A_110 : vector<16xf32> to vector<1x16xf32>
      tpu.vector_store %arg8[%swap3A, %swap3A_111], %swap3A_114 {strides = array<i32>} : memref<128x48xf32, #tpu.memory_space<vmem>>, vector<1x16xf32>,
      %broadcast_in_dim3A_115 = arith.constant 0.000000e+00 : f32
      %broadcast_in_dim3A_116 = vector.broadcast %broadcast_in_dim3A_115 : f32 to vector<16xf32>
      %swap3A_117 = arith.index_cast %scan3A_108 : i32 to index
      %swap3A_118 = arith.constant 16 : index
      %swap3A_119 = tpu.vector_load %arg8[%swap3A_117, %swap3A_118] {strides = array<i32>} : memref<128x48xf32, #tpu.memory_space<vmem>>, vector<1x16xf32>,
      %swap3A_120 = vector.shape_cast %swap3A_119 : vector<1x16xf32> to vector<16xf32>
      %swap3A_121 = vector.shape_cast %broadcast_in_dim3A_116 : vector<16xf32> to vector<1x16xf32>
      tpu.vector_store %arg8[%swap3A_117, %swap3A_118], %swap3A_121 {strides = array<i32>} : memref<128x48xf32, #tpu.memory_space<vmem>>, vector<1x16xf32>,
      %broadcast_in_dim3A_122 = arith.constant 0.000000e+00 : f32
      %broadcast_in_dim3A_123 = vector.broadcast %broadcast_in_dim3A_122 : f32 to vector<16xf32>
      %swap3A_124 = arith.index_cast %scan3A_108 : i32 to index
      %swap3A_125 = arith.constant 32 : index
      %swap3A_126 = tpu.vector_load %arg8[%swap3A_124, %swap3A_125] {strides = array<i32>} : memref<128x48xf32, #tpu.memory_space<vmem>>, vector<1x16xf32>,
      %swap3A_127 = vector.shape_cast %swap3A_126 : vector<1x16xf32> to vector<16xf32>
      %swap3A_128 = vector.shape_cast %broadcast_in_dim3A_123 : vector<16xf32> to vector<1x16xf32>
      tpu.vector_store %arg8[%swap3A_124, %swap3A_125], %swap3A_128 {strides = array<i32>} : memref<128x48xf32, #tpu.memory_space<vmem>>, vector<1x16xf32>,
      %scan3A_129 = arith.constant 0 : i32
      scf.yield %scan3A_129 : i32
    }
    %scan3A_27 = arith.constant 128 : i32
    %scan3A_28 = arith.constant 0 : i32
    %scan3A_29 = arith.constant 0 : i32
    %scan3A_30 = arith.constant 5 : i32
    %scan3A_31 = arith.addi %scan3A_29, %scan3A_30 : i32
    %scan3A_32 = arith.constant 1 : i32
    %scan3A_33 = scf.for %scan3A_108 = %scan3A_29 to %scan3A_31 step %scan3A_32 iter_args(%scan3A_109 = %scan3A_28) -> (i32)  : i32 {
      %mul3A_110 = arith.constant 640 : i32
      %mul3A_111 = arith.muli %arg1, %mul3A_110 : i32
      %mul3A_112 = arith.constant 128 : i32
      %mul3A_113 = arith.muli %scan3A_108, %mul3A_112 : i32
      %add3A_114 = arith.addi %mul3A_111, %mul3A_113 : i32
      "tpu.region"() ({
        %run_scoped3A = tpu.sem_alloc : memref<!tpu.dma_semaphore, #tpu.memory_space<semaphore_mem>>
        %dma_start3A_116 = arith.constant 0 : i32
        %dma_start3A_117 = tpu.memref_slice %arg12[%add3A_114, %dma_start3A_116] : memref<10240x48xf32, #tpu.memory_space<vmem_shared>> -> memref<128x48xf32, #tpu.memory_space<vmem_shared>>
        %dma_start3A_118 = arith.constant 0 : i32
        %dma_start3A_119 = tpu.memref_slice %arg12[%add3A_114, %dma_start3A_118] : memref<10240x48xf32, #tpu.memory_space<vmem_shared>> -> memref<128x48xf32, #tpu.memory_space<vmem_shared>>
        tpu.enqueue_dma source(%arg8 : memref<128x48xf32, #tpu.memory_space<vmem>>) target(%dma_start3A_119 : memref<128x48xf32, #tpu.memory_space<vmem_shared>>) target_semaphore(%run_scoped3A : memref<!tpu.dma_semaphore, #tpu.memory_space<semaphore_mem>>)
        %dma_wait3A_120 = arith.constant 0 : i32
        %dma_wait3A_121 = tpu.memref_slice %arg12[%add3A_114, %dma_wait3A_120] : memref<10240x48xf32, #tpu.memory_space<vmem_shared>> -> memref<128x48xf32, #tpu.memory_space<vmem_shared>>
        %dma_wait3A_122 = arith.constant 0 : i32
        %dma_wait3A_123 = tpu.memref_slice %arg12[%add3A_114, %dma_wait3A_122] : memref<10240x48xf32, #tpu.memory_space<vmem_shared>> -> memref<128x48xf32, #tpu.memory_space<vmem_shared>>
        tpu.wait_dma2 semaphore(%run_scoped3A : memref<!tpu.dma_semaphore, #tpu.memory_space<semaphore_mem>>) src(%arg8 : memref<128x48xf32, #tpu.memory_space<vmem>>) dst(%dma_wait3A_123 : memref<128x48xf32, #tpu.memory_space<vmem_shared>>)
        tpu.yield
      }) : () -> ()
      %scan3A_115 = arith.constant 0 : i32
      scf.yield %scan3A_115 : i32
    }
    %scan3A_34 = arith.constant 5 : i32
    %dma_wait3A = arith.constant 0 : i32
    %dma_wait3A_35 = tpu.memref_slice %arg13[%mul3A_2, %dma_wait3A] : memref<10000x48xf32, #tpu.memory_space<vmem_shared>> -> memref<625x48xf32, #tpu.memory_space<vmem_shared>>
    %dma_wait3A_36 = arith.constant 0 : i32
    %dma_wait3A_37 = tpu.memref_slice %arg2[%mul3A_2, %dma_wait3A_36] : memref<10000x48xf32, #tpu.memory_space<hbm>> -> memref<625x48xf32, #tpu.memory_space<hbm>>
    tpu.wait_dma2 semaphore(%arg24 : memref<!tpu.dma_semaphore, #tpu.memory_space<semaphore_mem>>) src(%dma_wait3A_37 : memref<625x48xf32, #tpu.memory_space<hbm>>) dst(%dma_wait3A_35 : memref<625x48xf32, #tpu.memory_space<vmem_shared>>)
    %dma_wait3A_38 = arith.constant 0 : i32
    %dma_wait3A_39 = arith.constant 0 : i32
    %dma_wait3A_40 = tpu.memref_slice %arg3[%add3A, %dma_wait3A_38, %dma_wait3A_39] : memref<32x80x128xi32, #tpu.memory_space<hbm>> -> memref<1x80x128xi32, #tpu.memory_space<hbm>>
    %dma_wait3A_41 = tpu.memref_squeeze %dma_wait3A_40 : memref<1x80x128xi32, #tpu.memory_space<hbm>> -> memref<80x128xi32, #tpu.memory_space<hbm>>
    %dma_wait3A_42 = arith.constant 0 : i32
    %dma_wait3A_43 = arith.constant 0 : i32
    %dma_wait3A_44 = tpu.memref_slice %arg3[%add3A, %dma_wait3A_42, %dma_wait3A_43] : memref<32x80x128xi32, #tpu.memory_space<hbm>> -> memref<1x80x128xi32, #tpu.memory_space<hbm>>
    %dma_wait3A_45 = tpu.memref_squeeze %dma_wait3A_44 : memref<1x80x128xi32, #tpu.memory_space<hbm>> -> memref<80x128xi32, #tpu.memory_space<hbm>>
    tpu.wait_dma2 semaphore(%arg22 : memref<!tpu.dma_semaphore, #tpu.memory_space<semaphore_mem>>) src(%dma_wait3A_45 : memref<80x128xi32, #tpu.memory_space<hbm>>) dst(%arg6 : memref<80x128xi32, #tpu.memory_space<vmem>>)
    %dma_wait3A_46 = arith.constant 0 : i32
    %dma_wait3A_47 = arith.constant 0 : i32
    %dma_wait3A_48 = tpu.memref_slice %arg4[%add3A, %dma_wait3A_46, %dma_wait3A_47] : memref<32x80x128xi32, #tpu.memory_space<hbm>> -> memref<1x80x128xi32, #tpu.memory_space<hbm>>
    %dma_wait3A_49 = tpu.memref_squeeze %dma_wait3A_48 : memref<1x80x128xi32, #tpu.memory_space<hbm>> -> memref<80x128xi32, #tpu.memory_space<hbm>>
    %dma_wait3A_50 = arith.constant 0 : i32
    %dma_wait3A_51 = arith.constant 0 : i32
    %dma_wait3A_52 = tpu.memref_slice %arg4[%add3A, %dma_wait3A_50, %dma_wait3A_51] : memref<32x80x128xi32, #tpu.memory_space<hbm>> -> memref<1x80x128xi32, #tpu.memory_space<hbm>>
    %dma_wait3A_53 = tpu.memref_squeeze %dma_wait3A_52 : memref<1x80x128xi32, #tpu.memory_space<hbm>> -> memref<80x128xi32, #tpu.memory_space<hbm>>
    tpu.wait_dma2 semaphore(%arg23 : memref<!tpu.dma_semaphore, #tpu.memory_space<semaphore_mem>>) src(%dma_wait3A_53 : memref<80x128xi32, #tpu.memory_space<hbm>>) dst(%arg7 : memref<80x128xi32, #tpu.memory_space<vmem>>)
    %barrier3A = arith.constant 0 : index
    tpu.barrier barrier_id(%barrier3A)
    %dma_start3A_54 = arith.constant 0 : i32
    %dma_start3A_55 = arith.constant 0 : i32
    %dma_start3A_56 = tpu.memref_slice %arg6[%dma_start3A_54, %dma_start3A_55] : memref<80x128xi32, #tpu.memory_space<vmem>> -> memref<1x128xi32, #tpu.memory_space<vmem>>
    %dma_start3A_57 = tpu.memref_squeeze %dma_start3A_56 : memref<1x128xi32, #tpu.memory_space<vmem>> -> memref<128xi32, #tpu.memory_space<vmem>>
    %dma_start3A_58 = arith.constant 0 : i32
    %dma_start3A_59 = arith.constant 0 : i32
    %dma_start3A_60 = tpu.memref_slice %arg13[%dma_start3A_58, %dma_start3A_59] : memref<10000x48xf32, #tpu.memory_space<vmem_shared>> -> memref<10000x48xf32, #tpu.memory_space<vmem_shared>>
    tpu.enqueue_indirect_dma source(%dma_start3A_60 : memref<10000x48xf32, #tpu.memory_space<vmem_shared>>) target(%arg8 : memref<128x48xf32, #tpu.memory_space<vmem>>) offsets(%dma_start3A_57 : memref<128xi32, #tpu.memory_space<vmem>>) semaphore(%arg14 : memref<!tpu.dma_semaphore, #tpu.memory_space<semaphore_mem>>)
    %dma_start3A_61 = arith.constant 1 : i32
    %dma_start3A_62 = arith.constant 0 : i32
    %dma_start3A_63 = tpu.memref_slice %arg6[%dma_start3A_61, %dma_start3A_62] : memref<80x128xi32, #tpu.memory_space<vmem>> -> memref<1x128xi32, #tpu.memory_space<vmem>>
    %dma_start3A_64 = tpu.memref_squeeze %dma_start3A_63 : memref<1x128xi32, #tpu.memory_space<vmem>> -> memref<128xi32, #tpu.memory_space<vmem>>
    %dma_start3A_65 = arith.constant 0 : i32
    %dma_start3A_66 = arith.constant 0 : i32
    %dma_start3A_67 = tpu.memref_slice %arg13[%dma_start3A_65, %dma_start3A_66] : memref<10000x48xf32, #tpu.memory_space<vmem_shared>> -> memref<10000x48xf32, #tpu.memory_space<vmem_shared>>
    tpu.enqueue_indirect_dma source(%dma_start3A_67 : memref<10000x48xf32, #tpu.memory_space<vmem_shared>>) target(%arg9 : memref<128x48xf32, #tpu.memory_space<vmem>>) offsets(%dma_start3A_64 : memref<128xi32, #tpu.memory_space<vmem>>) semaphore(%arg15 : memref<!tpu.dma_semaphore, #tpu.memory_space<semaphore_mem>>)
    %scan3A_68 = arith.constant 0 : i32
    %scan3A_69 = arith.constant 0 : i32
    %scan3A_70 = arith.constant 20 : i32
    %scan3A_71 = arith.addi %scan3A_69, %scan3A_70 : i32
    %scan3A_72 = arith.constant 1 : i32
    %scan3A_73 = scf.for %scan3A_108 = %scan3A_69 to %scan3A_71 step %scan3A_72 iter_args(%scan3A_109 = %scan3A_68) -> (i32)  : i32 {
      %mul3A_110 = arith.constant 4 : i32
      %mul3A_111 = arith.muli %scan3A_108, %mul3A_110 : i32
      %add3A_112 = arith.constant 0 : i32
      %add3A_113 = arith.addi %mul3A_111, %add3A_112 : i32
      %add3A_114 = arith.constant 2 : i32
      %add3A_115 = arith.addi %add3A_113, %add3A_114 : i32
      %lt3A = arith.constant 80 : i32
      %lt3A_116 = arith.cmpi slt, %add3A_115, %lt3A : i32
      %convert_element_type3A = arith.extui %lt3A_116 : i1 to i32
      %cond3A = arith.constant 0 : i32
      %cond3A_117 = arith.cmpi ne, %convert_element_type3A, %cond3A : i32
      scf.if %cond3A_117 {
        %sub3A = arith.constant 2 : i32
        %sub3A_200 = arith.subi %add3A_113, %sub3A : i32
        %ge3A = arith.constant 0 : i32
        %ge3A_201 = arith.cmpi sge, %sub3A_200, %ge3A : i32
        %convert_element_type3A_202 = arith.extui %ge3A_201 : i1 to i32
        %cond3A_203 = arith.constant 0 : i32
        %cond3A_204 = arith.cmpi ne, %convert_element_type3A_202, %cond3A_203 : i32
        scf.if %cond3A_204 {
          %dma_wait3A_213 = arith.constant 0 : i32
          %dma_wait3A_214 = tpu.memref_slice %arg7[%add3A_113, %dma_wait3A_213] : memref<80x128xi32, #tpu.memory_space<vmem>> -> memref<1x128xi32, #tpu.memory_space<vmem>>
          %dma_wait3A_215 = tpu.memref_squeeze %dma_wait3A_214 : memref<1x128xi32, #tpu.memory_space<vmem>> -> memref<128xi32, #tpu.memory_space<vmem>>
          %dma_wait3A_216 = arith.constant 0 : i32
          %dma_wait3A_217 = arith.constant 0 : i32
          %dma_wait3A_218 = tpu.memref_slice %arg12[%dma_wait3A_216, %dma_wait3A_217] : memref<10240x48xf32, #tpu.memory_space<vmem_shared>> -> memref<10240x48xf32, #tpu.memory_space<vmem_shared>>
          tpu.wait_indirect_dma semaphore(%arg20 : memref<!tpu.dma_semaphore, #tpu.memory_space<semaphore_mem>>) src(%arg10 : memref<128x48xf32, #tpu.memory_space<vmem>>) dst(%dma_wait3A_218 : memref<10240x48xf32, #tpu.memory_space<vmem_shared>>)
        } else {
        }
        %add3A_205 = arith.constant 2 : i32
        %add3A_206 = arith.addi %add3A_113, %add3A_205 : i32
        %dma_start3A_207 = arith.constant 0 : i32
        %dma_start3A_208 = tpu.memref_slice %arg6[%add3A_206, %dma_start3A_207] : memref<80x128xi32, #tpu.memory_space<vmem>> -> memref<1x128xi32, #tpu.memory_space<vmem>>
        %dma_start3A_209 = tpu.memref_squeeze %dma_start3A_208 : memref<1x128xi32, #tpu.memory_space<vmem>> -> memref<128xi32, #tpu.memory_space<vmem>>
        %dma_start3A_210 = arith.constant 0 : i32
        %dma_start3A_211 = arith.constant 0 : i32
        %dma_start3A_212 = tpu.memref_slice %arg13[%dma_start3A_210, %dma_start3A_211] : memref<10000x48xf32, #tpu.memory_space<vmem_shared>> -> memref<10000x48xf32, #tpu.memory_space<vmem_shared>>
        tpu.enqueue_indirect_dma source(%dma_start3A_212 : memref<10000x48xf32, #tpu.memory_space<vmem_shared>>) target(%arg10 : memref<128x48xf32, #tpu.memory_space<vmem>>) offsets(%dma_start3A_209 : memref<128xi32, #tpu.memory_space<vmem>>) semaphore(%arg16 : memref<!tpu.dma_semaphore, #tpu.memory_space<semaphore_mem>>)
      } else {
      }
      %dma_wait3A_118 = arith.constant 0 : i32
      %dma_wait3A_119 = tpu.memref_slice %arg6[%add3A_113, %dma_wait3A_118] : memref<80x128xi32, #tpu.memory_space<vmem>> -> memref<1x128xi32, #tpu.memory_space<vmem>>
      %dma_wait3A_120 = tpu.memref_squeeze %dma_wait3A_119 : memref<1x128xi32, #tpu.memory_space<vmem>> -> memref<128xi32, #tpu.memory_space<vmem>>
      %dma_wait3A_121 = arith.constant 0 : i32
      %dma_wait3A_122 = arith.constant 0 : i32
      %dma_wait3A_123 = tpu.memref_slice %arg13[%dma_wait3A_121, %dma_wait3A_122] : memref<10000x48xf32, #tpu.memory_space<vmem_shared>> -> memref<10000x48xf32, #tpu.memory_space<vmem_shared>>
      tpu.wait_indirect_dma semaphore(%arg14 : memref<!tpu.dma_semaphore, #tpu.memory_space<semaphore_mem>>) src(%dma_wait3A_123 : memref<10000x48xf32, #tpu.memory_space<vmem_shared>>) dst(%arg8 : memref<128x48xf32, #tpu.memory_space<vmem>>)
      %dma_start3A_124 = arith.constant 0 : i32
      %dma_start3A_125 = tpu.memref_slice %arg7[%add3A_113, %dma_start3A_124] : memref<80x128xi32, #tpu.memory_space<vmem>> -> memref<1x128xi32, #tpu.memory_space<vmem>>
      %dma_start3A_126 = tpu.memref_squeeze %dma_start3A_125 : memref<1x128xi32, #tpu.memory_space<vmem>> -> memref<128xi32, #tpu.memory_space<vmem>>
      %dma_start3A_127 = arith.constant 0 : i32
      %dma_start3A_128 = arith.constant 0 : i32
      %dma_start3A_129 = tpu.memref_slice %arg12[%dma_start3A_127, %dma_start3A_128] : memref<10240x48xf32, #tpu.memory_space<vmem_shared>> -> memref<10240x48xf32, #tpu.memory_space<vmem_shared>>
      tpu.enqueue_indirect_dma source(%arg8 : memref<128x48xf32, #tpu.memory_space<vmem>>) target(%dma_start3A_129 : memref<10240x48xf32, #tpu.memory_space<vmem_shared>>) offsets(%dma_start3A_126 : memref<128xi32, #tpu.memory_space<vmem>>) semaphore(%arg18 : memref<!tpu.dma_semaphore, #tpu.memory_space<semaphore_mem>>) {add = true}
      %mul3A_130 = arith.constant 4 : i32
      %mul3A_131 = arith.muli %scan3A_108, %mul3A_130 : i32
      %add3A_132 = arith.constant 1 : i32
      %add3A_133 = arith.addi %mul3A_131, %add3A_132 : i32
      %add3A_134 = arith.constant 2 : i32
      %add3A_135 = arith.addi %add3A_133, %add3A_134 : i32
      %lt3A_136 = arith.constant 80 : i32
      %lt3A_137 = arith.cmpi slt, %add3A_135, %lt3A_136 : i32
      %convert_element_type3A_138 = arith.extui %lt3A_137 : i1 to i32
      %cond3A_139 = arith.constant 0 : i32
      %cond3A_140 = arith.cmpi ne, %convert_element_type3A_138, %cond3A_139 : i32
      scf.if %cond3A_140 {
        %sub3A = arith.constant 2 : i32
        %sub3A_200 = arith.subi %add3A_133, %sub3A : i32
        %ge3A = arith.constant 0 : i32
        %ge3A_201 = arith.cmpi sge, %sub3A_200, %ge3A : i32
        %convert_element_type3A_202 = arith.extui %ge3A_201 : i1 to i32
        %cond3A_203 = arith.constant 0 : i32
        %cond3A_204 = arith.cmpi ne, %convert_element_type3A_202, %cond3A_203 : i32
        scf.if %cond3A_204 {
          %dma_wait3A_213 = arith.constant 0 : i32
          %dma_wait3A_214 = tpu.memref_slice %arg7[%add3A_133, %dma_wait3A_213] : memref<80x128xi32, #tpu.memory_space<vmem>> -> memref<1x128xi32, #tpu.memory_space<vmem>>
          %dma_wait3A_215 = tpu.memref_squeeze %dma_wait3A_214 : memref<1x128xi32, #tpu.memory_space<vmem>> -> memref<128xi32, #tpu.memory_space<vmem>>
          %dma_wait3A_216 = arith.constant 0 : i32
          %dma_wait3A_217 = arith.constant 0 : i32
          %dma_wait3A_218 = tpu.memref_slice %arg12[%dma_wait3A_216, %dma_wait3A_217] : memref<10240x48xf32, #tpu.memory_space<vmem_shared>> -> memref<10240x48xf32, #tpu.memory_space<vmem_shared>>
          tpu.wait_indirect_dma semaphore(%arg21 : memref<!tpu.dma_semaphore, #tpu.memory_space<semaphore_mem>>) src(%arg11 : memref<128x48xf32, #tpu.memory_space<vmem>>) dst(%dma_wait3A_218 : memref<10240x48xf32, #tpu.memory_space<vmem_shared>>)
        } else {
        }
        %add3A_205 = arith.constant 2 : i32
        %add3A_206 = arith.addi %add3A_133, %add3A_205 : i32
        %dma_start3A_207 = arith.constant 0 : i32
        %dma_start3A_208 = tpu.memref_slice %arg6[%add3A_206, %dma_start3A_207] : memref<80x128xi32, #tpu.memory_space<vmem>> -> memref<1x128xi32, #tpu.memory_space<vmem>>
        %dma_start3A_209 = tpu.memref_squeeze %dma_start3A_208 : memref<1x128xi32, #tpu.memory_space<vmem>> -> memref<128xi32, #tpu.memory_space<vmem>>
        %dma_start3A_210 = arith.constant 0 : i32
        %dma_start3A_211 = arith.constant 0 : i32
        %dma_start3A_212 = tpu.memref_slice %arg13[%dma_start3A_210, %dma_start3A_211] : memref<10000x48xf32, #tpu.memory_space<vmem_shared>> -> memref<10000x48xf32, #tpu.memory_space<vmem_shared>>
        tpu.enqueue_indirect_dma source(%dma_start3A_212 : memref<10000x48xf32, #tpu.memory_space<vmem_shared>>) target(%arg11 : memref<128x48xf32, #tpu.memory_space<vmem>>) offsets(%dma_start3A_209 : memref<128xi32, #tpu.memory_space<vmem>>) semaphore(%arg17 : memref<!tpu.dma_semaphore, #tpu.memory_space<semaphore_mem>>)
      } else {
      }
      %dma_wait3A_141 = arith.constant 0 : i32
      %dma_wait3A_142 = tpu.memref_slice %arg6[%add3A_133, %dma_wait3A_141] : memref<80x128xi32, #tpu.memory_space<vmem>> -> memref<1x128xi32, #tpu.memory_space<vmem>>
      %dma_wait3A_143 = tpu.memref_squeeze %dma_wait3A_142 : memref<1x128xi32, #tpu.memory_space<vmem>> -> memref<128xi32, #tpu.memory_space<vmem>>
      %dma_wait3A_144 = arith.constant 0 : i32
      %dma_wait3A_145 = arith.constant 0 : i32
      %dma_wait3A_146 = tpu.memref_slice %arg13[%dma_wait3A_144, %dma_wait3A_145] : memref<10000x48xf32, #tpu.memory_space<vmem_shared>> -> memref<10000x48xf32, #tpu.memory_space<vmem_shared>>
      tpu.wait_indirect_dma semaphore(%arg15 : memref<!tpu.dma_semaphore, #tpu.memory_space<semaphore_mem>>) src(%dma_wait3A_146 : memref<10000x48xf32, #tpu.memory_space<vmem_shared>>) dst(%arg9 : memref<128x48xf32, #tpu.memory_space<vmem>>)
      %dma_start3A_147 = arith.constant 0 : i32
      %dma_start3A_148 = tpu.memref_slice %arg7[%add3A_133, %dma_start3A_147] : memref<80x128xi32, #tpu.memory_space<vmem>> -> memref<1x128xi32, #tpu.memory_space<vmem>>
      %dma_start3A_149 = tpu.memref_squeeze %dma_start3A_148 : memref<1x128xi32, #tpu.memory_space<vmem>> -> memref<128xi32, #tpu.memory_space<vmem>>
      %dma_start3A_150 = arith.constant 0 : i32
      %dma_start3A_151 = arith.constant 0 : i32
      %dma_start3A_152 = tpu.memref_slice %arg12[%dma_start3A_150, %dma_start3A_151] : memref<10240x48xf32, #tpu.memory_space<vmem_shared>> -> memref<10240x48xf32, #tpu.memory_space<vmem_shared>>
      tpu.enqueue_indirect_dma source(%arg9 : memref<128x48xf32, #tpu.memory_space<vmem>>) target(%dma_start3A_152 : memref<10240x48xf32, #tpu.memory_space<vmem_shared>>) offsets(%dma_start3A_149 : memref<128xi32, #tpu.memory_space<vmem>>) semaphore(%arg19 : memref<!tpu.dma_semaphore, #tpu.memory_space<semaphore_mem>>) {add = true}
      %mul3A_153 = arith.constant 4 : i32
      %mul3A_154 = arith.muli %scan3A_108, %mul3A_153 : i32
      %add3A_155 = arith.constant 2 : i32
      %add3A_156 = arith.addi %mul3A_154, %add3A_155 : i32
      %add3A_157 = arith.constant 2 : i32
      %add3A_158 = arith.addi %add3A_156, %add3A_157 : i32
      %lt3A_159 = arith.constant 80 : i32
      %lt3A_160 = arith.cmpi slt, %add3A_158, %lt3A_159 : i32
      %convert_element_type3A_161 = arith.extui %lt3A_160 : i1 to i32
      %cond3A_162 = arith.constant 0 : i32
      %cond3A_163 = arith.cmpi ne, %convert_element_type3A_161, %cond3A_162 : i32
      scf.if %cond3A_163 {
        %sub3A = arith.constant 2 : i32
        %sub3A_200 = arith.subi %add3A_156, %sub3A : i32
        %ge3A = arith.constant 0 : i32
        %ge3A_201 = arith.cmpi sge, %sub3A_200, %ge3A : i32
        %convert_element_type3A_202 = arith.extui %ge3A_201 : i1 to i32
        %cond3A_203 = arith.constant 0 : i32
        %cond3A_204 = arith.cmpi ne, %convert_element_type3A_202, %cond3A_203 : i32
        scf.if %cond3A_204 {
          %dma_wait3A_213 = arith.constant 0 : i32
          %dma_wait3A_214 = tpu.memref_slice %arg7[%add3A_156, %dma_wait3A_213] : memref<80x128xi32, #tpu.memory_space<vmem>> -> memref<1x128xi32, #tpu.memory_space<vmem>>
          %dma_wait3A_215 = tpu.memref_squeeze %dma_wait3A_214 : memref<1x128xi32, #tpu.memory_space<vmem>> -> memref<128xi32, #tpu.memory_space<vmem>>
          %dma_wait3A_216 = arith.constant 0 : i32
          %dma_wait3A_217 = arith.constant 0 : i32
          %dma_wait3A_218 = tpu.memref_slice %arg12[%dma_wait3A_216, %dma_wait3A_217] : memref<10240x48xf32, #tpu.memory_space<vmem_shared>> -> memref<10240x48xf32, #tpu.memory_space<vmem_shared>>
          tpu.wait_indirect_dma semaphore(%arg18 : memref<!tpu.dma_semaphore, #tpu.memory_space<semaphore_mem>>) src(%arg8 : memref<128x48xf32, #tpu.memory_space<vmem>>) dst(%dma_wait3A_218 : memref<10240x48xf32, #tpu.memory_space<vmem_shared>>)
        } else {
        }
        %add3A_205 = arith.constant 2 : i32
        %add3A_206 = arith.addi %add3A_156, %add3A_205 : i32
        %dma_start3A_207 = arith.constant 0 : i32
        %dma_start3A_208 = tpu.memref_slice %arg6[%add3A_206, %dma_start3A_207] : memref<80x128xi32, #tpu.memory_space<vmem>> -> memref<1x128xi32, #tpu.memory_space<vmem>>
        %dma_start3A_209 = tpu.memref_squeeze %dma_start3A_208 : memref<1x128xi32, #tpu.memory_space<vmem>> -> memref<128xi32, #tpu.memory_space<vmem>>
        %dma_start3A_210 = arith.constant 0 : i32
        %dma_start3A_211 = arith.constant 0 : i32
        %dma_start3A_212 = tpu.memref_slice %arg13[%dma_start3A_210, %dma_start3A_211] : memref<10000x48xf32, #tpu.memory_space<vmem_shared>> -> memref<10000x48xf32, #tpu.memory_space<vmem_shared>>
        tpu.enqueue_indirect_dma source(%dma_start3A_212 : memref<10000x48xf32, #tpu.memory_space<vmem_shared>>) target(%arg8 : memref<128x48xf32, #tpu.memory_space<vmem>>) offsets(%dma_start3A_209 : memref<128xi32, #tpu.memory_space<vmem>>) semaphore(%arg14 : memref<!tpu.dma_semaphore, #tpu.memory_space<semaphore_mem>>)
      } else {
      }
      %dma_wait3A_164 = arith.constant 0 : i32
      %dma_wait3A_165 = tpu.memref_slice %arg6[%add3A_156, %dma_wait3A_164] : memref<80x128xi32, #tpu.memory_space<vmem>> -> memref<1x128xi32, #tpu.memory_space<vmem>>
      %dma_wait3A_166 = tpu.memref_squeeze %dma_wait3A_165 : memref<1x128xi32, #tpu.memory_space<vmem>> -> memref<128xi32, #tpu.memory_space<vmem>>
      %dma_wait3A_167 = arith.constant 0 : i32
      %dma_wait3A_168 = arith.constant 0 : i32
      %dma_wait3A_169 = tpu.memref_slice %arg13[%dma_wait3A_167, %dma_wait3A_168] : memref<10000x48xf32, #tpu.memory_space<vmem_shared>> -> memref<10000x48xf32, #tpu.memory_space<vmem_shared>>
      tpu.wait_indirect_dma semaphore(%arg16 : memref<!tpu.dma_semaphore, #tpu.memory_space<semaphore_mem>>) src(%dma_wait3A_169 : memref<10000x48xf32, #tpu.memory_space<vmem_shared>>) dst(%arg10 : memref<128x48xf32, #tpu.memory_space<vmem>>)
      %dma_start3A_170 = arith.constant 0 : i32
      %dma_start3A_171 = tpu.memref_slice %arg7[%add3A_156, %dma_start3A_170] : memref<80x128xi32, #tpu.memory_space<vmem>> -> memref<1x128xi32, #tpu.memory_space<vmem>>
      %dma_start3A_172 = tpu.memref_squeeze %dma_start3A_171 : memref<1x128xi32, #tpu.memory_space<vmem>> -> memref<128xi32, #tpu.memory_space<vmem>>
      %dma_start3A_173 = arith.constant 0 : i32
      %dma_start3A_174 = arith.constant 0 : i32
      %dma_start3A_175 = tpu.memref_slice %arg12[%dma_start3A_173, %dma_start3A_174] : memref<10240x48xf32, #tpu.memory_space<vmem_shared>> -> memref<10240x48xf32, #tpu.memory_space<vmem_shared>>
      tpu.enqueue_indirect_dma source(%arg10 : memref<128x48xf32, #tpu.memory_space<vmem>>) target(%dma_start3A_175 : memref<10240x48xf32, #tpu.memory_space<vmem_shared>>) offsets(%dma_start3A_172 : memref<128xi32, #tpu.memory_space<vmem>>) semaphore(%arg20 : memref<!tpu.dma_semaphore, #tpu.memory_space<semaphore_mem>>) {add = true}
      %mul3A_176 = arith.constant 4 : i32
      %mul3A_177 = arith.muli %scan3A_108, %mul3A_176 : i32
      %add3A_178 = arith.constant 3 : i32
      %add3A_179 = arith.addi %mul3A_177, %add3A_178 : i32
      %add3A_180 = arith.constant 2 : i32
      %add3A_181 = arith.addi %add3A_179, %add3A_180 : i32
      %lt3A_182 = arith.constant 80 : i32
      %lt3A_183 = arith.cmpi slt, %add3A_181, %lt3A_182 : i32
      %convert_element_type3A_184 = arith.extui %lt3A_183 : i1 to i32
      %cond3A_185 = arith.constant 0 : i32
      %cond3A_186 = arith.cmpi ne, %convert_element_type3A_184, %cond3A_185 : i32
      scf.if %cond3A_186 {
        %sub3A = arith.constant 2 : i32
        %sub3A_200 = arith.subi %add3A_179, %sub3A : i32
        %ge3A = arith.constant 0 : i32
        %ge3A_201 = arith.cmpi sge, %sub3A_200, %ge3A : i32
        %convert_element_type3A_202 = arith.extui %ge3A_201 : i1 to i32
        %cond3A_203 = arith.constant 0 : i32
        %cond3A_204 = arith.cmpi ne, %convert_element_type3A_202, %cond3A_203 : i32
        scf.if %cond3A_204 {
          %dma_wait3A_213 = arith.constant 0 : i32
          %dma_wait3A_214 = tpu.memref_slice %arg7[%add3A_179, %dma_wait3A_213] : memref<80x128xi32, #tpu.memory_space<vmem>> -> memref<1x128xi32, #tpu.memory_space<vmem>>
          %dma_wait3A_215 = tpu.memref_squeeze %dma_wait3A_214 : memref<1x128xi32, #tpu.memory_space<vmem>> -> memref<128xi32, #tpu.memory_space<vmem>>
          %dma_wait3A_216 = arith.constant 0 : i32
          %dma_wait3A_217 = arith.constant 0 : i32
          %dma_wait3A_218 = tpu.memref_slice %arg12[%dma_wait3A_216, %dma_wait3A_217] : memref<10240x48xf32, #tpu.memory_space<vmem_shared>> -> memref<10240x48xf32, #tpu.memory_space<vmem_shared>>
          tpu.wait_indirect_dma semaphore(%arg19 : memref<!tpu.dma_semaphore, #tpu.memory_space<semaphore_mem>>) src(%arg9 : memref<128x48xf32, #tpu.memory_space<vmem>>) dst(%dma_wait3A_218 : memref<10240x48xf32, #tpu.memory_space<vmem_shared>>)
        } else {
        }
        %add3A_205 = arith.constant 2 : i32
        %add3A_206 = arith.addi %add3A_179, %add3A_205 : i32
        %dma_start3A_207 = arith.constant 0 : i32
        %dma_start3A_208 = tpu.memref_slice %arg6[%add3A_206, %dma_start3A_207] : memref<80x128xi32, #tpu.memory_space<vmem>> -> memref<1x128xi32, #tpu.memory_space<vmem>>
        %dma_start3A_209 = tpu.memref_squeeze %dma_start3A_208 : memref<1x128xi32, #tpu.memory_space<vmem>> -> memref<128xi32, #tpu.memory_space<vmem>>
        %dma_start3A_210 = arith.constant 0 : i32
        %dma_start3A_211 = arith.constant 0 : i32
        %dma_start3A_212 = tpu.memref_slice %arg13[%dma_start3A_210, %dma_start3A_211] : memref<10000x48xf32, #tpu.memory_space<vmem_shared>> -> memref<10000x48xf32, #tpu.memory_space<vmem_shared>>
        tpu.enqueue_indirect_dma source(%dma_start3A_212 : memref<10000x48xf32, #tpu.memory_space<vmem_shared>>) target(%arg9 : memref<128x48xf32, #tpu.memory_space<vmem>>) offsets(%dma_start3A_209 : memref<128xi32, #tpu.memory_space<vmem>>) semaphore(%arg15 : memref<!tpu.dma_semaphore, #tpu.memory_space<semaphore_mem>>)
      } else {
      }
      %dma_wait3A_187 = arith.constant 0 : i32
      %dma_wait3A_188 = tpu.memref_slice %arg6[%add3A_179, %dma_wait3A_187] : memref<80x128xi32, #tpu.memory_space<vmem>> -> memref<1x128xi32, #tpu.memory_space<vmem>>
      %dma_wait3A_189 = tpu.memref_squeeze %dma_wait3A_188 : memref<1x128xi32, #tpu.memory_space<vmem>> -> memref<128xi32, #tpu.memory_space<vmem>>
      %dma_wait3A_190 = arith.constant 0 : i32
      %dma_wait3A_191 = arith.constant 0 : i32
      %dma_wait3A_192 = tpu.memref_slice %arg13[%dma_wait3A_190, %dma_wait3A_191] : memref<10000x48xf32, #tpu.memory_space<vmem_shared>> -> memref<10000x48xf32, #tpu.memory_space<vmem_shared>>
      tpu.wait_indirect_dma semaphore(%arg17 : memref<!tpu.dma_semaphore, #tpu.memory_space<semaphore_mem>>) src(%dma_wait3A_192 : memref<10000x48xf32, #tpu.memory_space<vmem_shared>>) dst(%arg11 : memref<128x48xf32, #tpu.memory_space<vmem>>)
      %dma_start3A_193 = arith.constant 0 : i32
      %dma_start3A_194 = tpu.memref_slice %arg7[%add3A_179, %dma_start3A_193] : memref<80x128xi32, #tpu.memory_space<vmem>> -> memref<1x128xi32, #tpu.memory_space<vmem>>
      %dma_start3A_195 = tpu.memref_squeeze %dma_start3A_194 : memref<1x128xi32, #tpu.memory_space<vmem>> -> memref<128xi32, #tpu.memory_space<vmem>>
      %dma_start3A_196 = arith.constant 0 : i32
      %dma_start3A_197 = arith.constant 0 : i32
      %dma_start3A_198 = tpu.memref_slice %arg12[%dma_start3A_196, %dma_start3A_197] : memref<10240x48xf32, #tpu.memory_space<vmem_shared>> -> memref<10240x48xf32, #tpu.memory_space<vmem_shared>>
      tpu.enqueue_indirect_dma source(%arg11 : memref<128x48xf32, #tpu.memory_space<vmem>>) target(%dma_start3A_198 : memref<10240x48xf32, #tpu.memory_space<vmem_shared>>) offsets(%dma_start3A_195 : memref<128xi32, #tpu.memory_space<vmem>>) semaphore(%arg21 : memref<!tpu.dma_semaphore, #tpu.memory_space<semaphore_mem>>) {add = true}
      %scan3A_199 = arith.constant 0 : i32
      scf.yield %scan3A_199 : i32
    }
    %scan3A_74 = arith.constant 20 : i32
    %dma_wait3A_75 = arith.constant 0 : i32
    %dma_wait3A_76 = arith.constant 0 : i32
    %dma_wait3A_77 = tpu.memref_slice %arg7[%dma_wait3A_75, %dma_wait3A_76] : memref<80x128xi32, #tpu.memory_space<vmem>> -> memref<1x128xi32, #tpu.memory_space<vmem>>
    %dma_wait3A_78 = tpu.memref_squeeze %dma_wait3A_77 : memref<1x128xi32, #tpu.memory_space<vmem>> -> memref<128xi32, #tpu.memory_space<vmem>>
    %dma_wait3A_79 = arith.constant 0 : i32
    %dma_wait3A_80 = arith.constant 0 : i32
    %dma_wait3A_81 = tpu.memref_slice %arg12[%dma_wait3A_79, %dma_wait3A_80] : memref<10240x48xf32, #tpu.memory_space<vmem_shared>> -> memref<10240x48xf32, #tpu.memory_space<vmem_shared>>
    tpu.wait_indirect_dma semaphore(%arg18 : memref<!tpu.dma_semaphore, #tpu.memory_space<semaphore_mem>>) src(%arg8 : memref<128x48xf32, #tpu.memory_space<vmem>>) dst(%dma_wait3A_81 : memref<10240x48xf32, #tpu.memory_space<vmem_shared>>)
    %dma_wait3A_82 = arith.constant 0 : i32
    %dma_wait3A_83 = arith.constant 0 : i32
    %dma_wait3A_84 = tpu.memref_slice %arg7[%dma_wait3A_82, %dma_wait3A_83] : memref<80x128xi32, #tpu.memory_space<vmem>> -> memref<1x128xi32, #tpu.memory_space<vmem>>
    %dma_wait3A_85 = tpu.memref_squeeze %dma_wait3A_84 : memref<1x128xi32, #tpu.memory_space<vmem>> -> memref<128xi32, #tpu.memory_space<vmem>>
    %dma_wait3A_86 = arith.constant 0 : i32
    %dma_wait3A_87 = arith.constant 0 : i32
    %dma_wait3A_88 = tpu.memref_slice %arg12[%dma_wait3A_86, %dma_wait3A_87] : memref<10240x48xf32, #tpu.memory_space<vmem_shared>> -> memref<10240x48xf32, #tpu.memory_space<vmem_shared>>
    tpu.wait_indirect_dma semaphore(%arg19 : memref<!tpu.dma_semaphore, #tpu.memory_space<semaphore_mem>>) src(%arg9 : memref<128x48xf32, #tpu.memory_space<vmem>>) dst(%dma_wait3A_88 : memref<10240x48xf32, #tpu.memory_space<vmem_shared>>)
    %dma_wait3A_89 = arith.constant 0 : i32
    %dma_wait3A_90 = arith.constant 0 : i32
    %dma_wait3A_91 = tpu.memref_slice %arg7[%dma_wait3A_89, %dma_wait3A_90] : memref<80x128xi32, #tpu.memory_space<vmem>> -> memref<1x128xi32, #tpu.memory_space<vmem>>
    %dma_wait3A_92 = tpu.memref_squeeze %dma_wait3A_91 : memref<1x128xi32, #tpu.memory_space<vmem>> -> memref<128xi32, #tpu.memory_space<vmem>>
    %dma_wait3A_93 = arith.constant 0 : i32
    %dma_wait3A_94 = arith.constant 0 : i32
    %dma_wait3A_95 = tpu.memref_slice %arg12[%dma_wait3A_93, %dma_wait3A_94] : memref<10240x48xf32, #tpu.memory_space<vmem_shared>> -> memref<10240x48xf32, #tpu.memory_space<vmem_shared>>
    tpu.wait_indirect_dma semaphore(%arg20 : memref<!tpu.dma_semaphore, #tpu.memory_space<semaphore_mem>>) src(%arg10 : memref<128x48xf32, #tpu.memory_space<vmem>>) dst(%dma_wait3A_95 : memref<10240x48xf32, #tpu.memory_space<vmem_shared>>)
    %dma_wait3A_96 = arith.constant 0 : i32
    %dma_wait3A_97 = arith.constant 0 : i32
    %dma_wait3A_98 = tpu.memref_slice %arg7[%dma_wait3A_96, %dma_wait3A_97] : memref<80x128xi32, #tpu.memory_space<vmem>> -> memref<1x128xi32, #tpu.memory_space<vmem>>
    %dma_wait3A_99 = tpu.memref_squeeze %dma_wait3A_98 : memref<1x128xi32, #tpu.memory_space<vmem>> -> memref<128xi32, #tpu.memory_space<vmem>>
    %dma_wait3A_100 = arith.constant 0 : i32
    %dma_wait3A_101 = arith.constant 0 : i32
    %dma_wait3A_102 = tpu.memref_slice %arg12[%dma_wait3A_100, %dma_wait3A_101] : memref<10240x48xf32, #tpu.memory_space<vmem_shared>> -> memref<10240x48xf32, #tpu.memory_space<vmem_shared>>
    tpu.wait_indirect_dma semaphore(%arg21 : memref<!tpu.dma_semaphore, #tpu.memory_space<semaphore_mem>>) src(%arg11 : memref<128x48xf32, #tpu.memory_space<vmem>>) dst(%dma_wait3A_102 : memref<10240x48xf32, #tpu.memory_space<vmem_shared>>)
    %barrier3A_103 = arith.constant 0 : index
    tpu.barrier barrier_id(%barrier3A_103)
    %mul3A_104 = arith.constant 640 : i32
    %mul3A_105 = arith.muli %arg1, %mul3A_104 : i32
    %mul3A_106 = arith.constant 640 : i32
    %mul3A_107 = arith.muli %arg1, %mul3A_106 : i32
    "tpu.region"() ({
      %run_scoped3A = tpu.sem_alloc : memref<!tpu.dma_semaphore, #tpu.memory_space<semaphore_mem>>
      %dma_start3A_108 = arith.constant 0 : i32
      %dma_start3A_109 = tpu.memref_slice %arg5[%arg0, %mul3A_107, %dma_start3A_108] : memref<2x10240x48xf32, #tpu.memory_space<hbm>> -> memref<1x640x48xf32, #tpu.memory_space<hbm>>
      %dma_start3A_110 = tpu.memref_squeeze %dma_start3A_109 : memref<1x640x48xf32, #tpu.memory_space<hbm>> -> memref<640x48xf32, #tpu.memory_space<hbm>>
      %dma_start3A_111 = arith.constant 0 : i32
      %dma_start3A_112 = tpu.memref_slice %arg12[%mul3A_105, %dma_start3A_111] : memref<10240x48xf32, #tpu.memory_space<vmem_shared>> -> memref<640x48xf32, #tpu.memory_space<vmem_shared>>
      tpu.enqueue_dma source(%dma_start3A_112 : memref<640x48xf32, #tpu.memory_space<vmem_shared>>) target(%dma_start3A_110 : memref<640x48xf32, #tpu.memory_space<hbm>>) target_semaphore(%run_scoped3A : memref<!tpu.dma_semaphore, #tpu.memory_space<semaphore_mem>>)
      %dma_wait3A_113 = arith.constant 0 : i32
      %dma_wait3A_114 = tpu.memref_slice %arg5[%arg0, %mul3A_107, %dma_wait3A_113] : memref<2x10240x48xf32, #tpu.memory_space<hbm>> -> memref<1x640x48xf32, #tpu.memory_space<hbm>>
      %dma_wait3A_115 = tpu.memref_squeeze %dma_wait3A_114 : memref<1x640x48xf32, #tpu.memory_space<hbm>> -> memref<640x48xf32, #tpu.memory_space<hbm>>
      %dma_wait3A_116 = arith.constant 0 : i32
      %dma_wait3A_117 = tpu.memref_slice %arg12[%mul3A_105, %dma_wait3A_116] : memref<10240x48xf32, #tpu.memory_space<vmem_shared>> -> memref<640x48xf32, #tpu.memory_space<vmem_shared>>
      tpu.wait_dma2 semaphore(%run_scoped3A : memref<!tpu.dma_semaphore, #tpu.memory_space<semaphore_mem>>) src(%dma_wait3A_117 : memref<640x48xf32, #tpu.memory_space<vmem_shared>>) dst(%dma_wait3A_115 : memref<640x48xf32, #tpu.memory_space<hbm>>)
      tpu.yield
    }) : () -> ()
    return
  }
}

#map = affine_map<(d0, d1) -> (0, 0)>
#map1 = affine_map<(d0, d1) -> (0, 0, 0)>
module attributes {stable_mosaic.version = 14 : i64} {
  func.func @body(%arg0: i32, %arg1: i32, %arg2: memref<10000x64xf32, #tpu.memory_space<hbm>>, %arg3: memref<32x80x128xi32, #tpu.memory_space<hbm>>, %arg4: memref<32x80x128xi32, #tpu.memory_space<hbm>>, %arg5: memref<2x10240x64xf32, #tpu.memory_space<hbm>>, %arg6: memref<80x128xi32, #tpu.memory_space<vmem>>, %arg7: memref<80x128xi32, #tpu.memory_space<vmem>>, %arg8: memref<128x64xf32, #tpu.memory_space<vmem>>, %arg9: memref<128x64xf32, #tpu.memory_space<vmem>>, %arg10: memref<10240x64xf32, #tpu.memory_space<vmem_shared>>, %arg11: memref<10000x64xf32, #tpu.memory_space<vmem_shared>>, %arg12: memref<!tpu.dma_semaphore, #tpu.memory_space<semaphore_mem>>, %arg13: memref<!tpu.dma_semaphore, #tpu.memory_space<semaphore_mem>>, %arg14: memref<!tpu.dma_semaphore, #tpu.memory_space<semaphore_mem>>, %arg15: memref<!tpu.dma_semaphore, #tpu.memory_space<semaphore_mem>>, %arg16: memref<!tpu.dma_semaphore, #tpu.memory_space<semaphore_mem>>, %arg17: memref<!tpu.dma_semaphore, #tpu.memory_space<semaphore_mem>>, %arg18: memref<!tpu.dma_semaphore, #tpu.memory_space<semaphore_mem>>) attributes {dimension_semantics = [#tpu.dimension_semantics<core_parallel>, #tpu.dimension_semantics<subcore_parallel>], iteration_bounds = array<i64: 2, 16>, scalar_prefetch = 0 : i64, scratch_operands = 13 : i64, tpu.core_type = #tpu.core_type<sc_vector_subcore>, window_params = [{transform_indices = #map}, {transform_indices = #map1}, {transform_indices = #map1}, {transform_indices = #map1}]} {
    %mul3A = arith.constant 16 : i32
    %mul3A_0 = arith.muli %arg0, %mul3A : i32
    %add3A = arith.addi %mul3A_0, %arg1 : i32
    %mul3A_1 = arith.constant 625 : i32
    %mul3A_2 = arith.muli %arg1, %mul3A_1 : i32
    %dma_start3A = arith.constant 0 : i32
    %dma_start3A_3 = tpu.memref_slice %arg11[%mul3A_2, %dma_start3A] : memref<10000x64xf32, #tpu.memory_space<vmem_shared>> -> memref<625x64xf32, #tpu.memory_space<vmem_shared>>
    %dma_start3A_4 = arith.constant 0 : i32
    %dma_start3A_5 = tpu.memref_slice %arg2[%mul3A_2, %dma_start3A_4] : memref<10000x64xf32, #tpu.memory_space<hbm>> -> memref<625x64xf32, #tpu.memory_space<hbm>>
    tpu.enqueue_dma source(%dma_start3A_5 : memref<625x64xf32, #tpu.memory_space<hbm>>) target(%dma_start3A_3 : memref<625x64xf32, #tpu.memory_space<vmem_shared>>) target_semaphore(%arg18 : memref<!tpu.dma_semaphore, #tpu.memory_space<semaphore_mem>>)
    %dma_start3A_6 = arith.constant 0 : i32
    %dma_start3A_7 = arith.constant 0 : i32
    %dma_start3A_8 = tpu.memref_slice %arg3[%add3A, %dma_start3A_6, %dma_start3A_7] : memref<32x80x128xi32, #tpu.memory_space<hbm>> -> memref<1x80x128xi32, #tpu.memory_space<hbm>>
    %dma_start3A_9 = tpu.memref_squeeze %dma_start3A_8 : memref<1x80x128xi32, #tpu.memory_space<hbm>> -> memref<80x128xi32, #tpu.memory_space<hbm>>
    %dma_start3A_10 = arith.constant 0 : i32
    %dma_start3A_11 = arith.constant 0 : i32
    %dma_start3A_12 = tpu.memref_slice %arg3[%add3A, %dma_start3A_10, %dma_start3A_11] : memref<32x80x128xi32, #tpu.memory_space<hbm>> -> memref<1x80x128xi32, #tpu.memory_space<hbm>>
    %dma_start3A_13 = tpu.memref_squeeze %dma_start3A_12 : memref<1x80x128xi32, #tpu.memory_space<hbm>> -> memref<80x128xi32, #tpu.memory_space<hbm>>
    tpu.enqueue_dma source(%dma_start3A_13 : memref<80x128xi32, #tpu.memory_space<hbm>>) target(%arg6 : memref<80x128xi32, #tpu.memory_space<vmem>>) target_semaphore(%arg16 : memref<!tpu.dma_semaphore, #tpu.memory_space<semaphore_mem>>)
    %dma_start3A_14 = arith.constant 0 : i32
    %dma_start3A_15 = arith.constant 0 : i32
    %dma_start3A_16 = tpu.memref_slice %arg4[%add3A, %dma_start3A_14, %dma_start3A_15] : memref<32x80x128xi32, #tpu.memory_space<hbm>> -> memref<1x80x128xi32, #tpu.memory_space<hbm>>
    %dma_start3A_17 = tpu.memref_squeeze %dma_start3A_16 : memref<1x80x128xi32, #tpu.memory_space<hbm>> -> memref<80x128xi32, #tpu.memory_space<hbm>>
    %dma_start3A_18 = arith.constant 0 : i32
    %dma_start3A_19 = arith.constant 0 : i32
    %dma_start3A_20 = tpu.memref_slice %arg4[%add3A, %dma_start3A_18, %dma_start3A_19] : memref<32x80x128xi32, #tpu.memory_space<hbm>> -> memref<1x80x128xi32, #tpu.memory_space<hbm>>
    %dma_start3A_21 = tpu.memref_squeeze %dma_start3A_20 : memref<1x80x128xi32, #tpu.memory_space<hbm>> -> memref<80x128xi32, #tpu.memory_space<hbm>>
    tpu.enqueue_dma source(%dma_start3A_21 : memref<80x128xi32, #tpu.memory_space<hbm>>) target(%arg7 : memref<80x128xi32, #tpu.memory_space<vmem>>) target_semaphore(%arg17 : memref<!tpu.dma_semaphore, #tpu.memory_space<semaphore_mem>>)
    %scan3A = arith.constant 0 : i32
    %scan3A_22 = arith.constant 0 : i32
    %scan3A_23 = arith.constant 128 : i32
    %scan3A_24 = arith.addi %scan3A_22, %scan3A_23 : i32
    %scan3A_25 = arith.constant 1 : i32
    %scan3A_26 = scf.for %scan3A_87 = %scan3A_22 to %scan3A_24 step %scan3A_25 iter_args(%scan3A_88 = %scan3A) -> (i32)  : i32 {
      %broadcast_in_dim3A = arith.constant 0.000000e+00 : f32
      %broadcast_in_dim3A_89 = vector.broadcast %broadcast_in_dim3A : f32 to vector<16xf32>
      %swap3A = arith.index_cast %scan3A_87 : i32 to index
      %swap3A_90 = arith.constant 0 : index
      %swap3A_91 = tpu.vector_load %arg8[%swap3A, %swap3A_90] {strides = array<i32>} : memref<128x64xf32, #tpu.memory_space<vmem>>, vector<1x16xf32>,
      %swap3A_92 = vector.shape_cast %swap3A_91 : vector<1x16xf32> to vector<16xf32>
      %swap3A_93 = vector.shape_cast %broadcast_in_dim3A_89 : vector<16xf32> to vector<1x16xf32>
      tpu.vector_store %arg8[%swap3A, %swap3A_90], %swap3A_93 {strides = array<i32>} : memref<128x64xf32, #tpu.memory_space<vmem>>, vector<1x16xf32>,
      %broadcast_in_dim3A_94 = arith.constant 0.000000e+00 : f32
      %broadcast_in_dim3A_95 = vector.broadcast %broadcast_in_dim3A_94 : f32 to vector<16xf32>
      %swap3A_96 = arith.index_cast %scan3A_87 : i32 to index
      %swap3A_97 = arith.constant 16 : index
      %swap3A_98 = tpu.vector_load %arg8[%swap3A_96, %swap3A_97] {strides = array<i32>} : memref<128x64xf32, #tpu.memory_space<vmem>>, vector<1x16xf32>,
      %swap3A_99 = vector.shape_cast %swap3A_98 : vector<1x16xf32> to vector<16xf32>
      %swap3A_100 = vector.shape_cast %broadcast_in_dim3A_95 : vector<16xf32> to vector<1x16xf32>
      tpu.vector_store %arg8[%swap3A_96, %swap3A_97], %swap3A_100 {strides = array<i32>} : memref<128x64xf32, #tpu.memory_space<vmem>>, vector<1x16xf32>,
      %broadcast_in_dim3A_101 = arith.constant 0.000000e+00 : f32
      %broadcast_in_dim3A_102 = vector.broadcast %broadcast_in_dim3A_101 : f32 to vector<16xf32>
      %swap3A_103 = arith.index_cast %scan3A_87 : i32 to index
      %swap3A_104 = arith.constant 32 : index
      %swap3A_105 = tpu.vector_load %arg8[%swap3A_103, %swap3A_104] {strides = array<i32>} : memref<128x64xf32, #tpu.memory_space<vmem>>, vector<1x16xf32>,
      %swap3A_106 = vector.shape_cast %swap3A_105 : vector<1x16xf32> to vector<16xf32>
      %swap3A_107 = vector.shape_cast %broadcast_in_dim3A_102 : vector<16xf32> to vector<1x16xf32>
      tpu.vector_store %arg8[%swap3A_103, %swap3A_104], %swap3A_107 {strides = array<i32>} : memref<128x64xf32, #tpu.memory_space<vmem>>, vector<1x16xf32>,
      %broadcast_in_dim3A_108 = arith.constant 0.000000e+00 : f32
      %broadcast_in_dim3A_109 = vector.broadcast %broadcast_in_dim3A_108 : f32 to vector<16xf32>
      %swap3A_110 = arith.index_cast %scan3A_87 : i32 to index
      %swap3A_111 = arith.constant 48 : index
      %swap3A_112 = tpu.vector_load %arg8[%swap3A_110, %swap3A_111] {strides = array<i32>} : memref<128x64xf32, #tpu.memory_space<vmem>>, vector<1x16xf32>,
      %swap3A_113 = vector.shape_cast %swap3A_112 : vector<1x16xf32> to vector<16xf32>
      %swap3A_114 = vector.shape_cast %broadcast_in_dim3A_109 : vector<16xf32> to vector<1x16xf32>
      tpu.vector_store %arg8[%swap3A_110, %swap3A_111], %swap3A_114 {strides = array<i32>} : memref<128x64xf32, #tpu.memory_space<vmem>>, vector<1x16xf32>,
      %scan3A_115 = arith.constant 0 : i32
      scf.yield %scan3A_115 : i32
    }
    %scan3A_27 = arith.constant 128 : i32
    %scan3A_28 = arith.constant 0 : i32
    %scan3A_29 = arith.constant 0 : i32
    %scan3A_30 = arith.constant 5 : i32
    %scan3A_31 = arith.addi %scan3A_29, %scan3A_30 : i32
    %scan3A_32 = arith.constant 1 : i32
    %scan3A_33 = scf.for %scan3A_87 = %scan3A_29 to %scan3A_31 step %scan3A_32 iter_args(%scan3A_88 = %scan3A_28) -> (i32)  : i32 {
      %mul3A_89 = arith.constant 640 : i32
      %mul3A_90 = arith.muli %arg1, %mul3A_89 : i32
      %mul3A_91 = arith.constant 128 : i32
      %mul3A_92 = arith.muli %scan3A_87, %mul3A_91 : i32
      %add3A_93 = arith.addi %mul3A_90, %mul3A_92 : i32
      "tpu.region"() ({
        %run_scoped3A = tpu.sem_alloc : memref<!tpu.dma_semaphore, #tpu.memory_space<semaphore_mem>>
        %dma_start3A_95 = arith.constant 0 : i32
        %dma_start3A_96 = tpu.memref_slice %arg10[%add3A_93, %dma_start3A_95] : memref<10240x64xf32, #tpu.memory_space<vmem_shared>> -> memref<128x64xf32, #tpu.memory_space<vmem_shared>>
        %dma_start3A_97 = arith.constant 0 : i32
        %dma_start3A_98 = tpu.memref_slice %arg10[%add3A_93, %dma_start3A_97] : memref<10240x64xf32, #tpu.memory_space<vmem_shared>> -> memref<128x64xf32, #tpu.memory_space<vmem_shared>>
        tpu.enqueue_dma source(%arg8 : memref<128x64xf32, #tpu.memory_space<vmem>>) target(%dma_start3A_98 : memref<128x64xf32, #tpu.memory_space<vmem_shared>>) target_semaphore(%run_scoped3A : memref<!tpu.dma_semaphore, #tpu.memory_space<semaphore_mem>>)
        %dma_wait3A_99 = arith.constant 0 : i32
        %dma_wait3A_100 = tpu.memref_slice %arg10[%add3A_93, %dma_wait3A_99] : memref<10240x64xf32, #tpu.memory_space<vmem_shared>> -> memref<128x64xf32, #tpu.memory_space<vmem_shared>>
        %dma_wait3A_101 = arith.constant 0 : i32
        %dma_wait3A_102 = tpu.memref_slice %arg10[%add3A_93, %dma_wait3A_101] : memref<10240x64xf32, #tpu.memory_space<vmem_shared>> -> memref<128x64xf32, #tpu.memory_space<vmem_shared>>
        tpu.wait_dma2 semaphore(%run_scoped3A : memref<!tpu.dma_semaphore, #tpu.memory_space<semaphore_mem>>) src(%arg8 : memref<128x64xf32, #tpu.memory_space<vmem>>) dst(%dma_wait3A_102 : memref<128x64xf32, #tpu.memory_space<vmem_shared>>)
        tpu.yield
      }) : () -> ()
      %scan3A_94 = arith.constant 0 : i32
      scf.yield %scan3A_94 : i32
    }
    %scan3A_34 = arith.constant 5 : i32
    %dma_wait3A = arith.constant 0 : i32
    %dma_wait3A_35 = tpu.memref_slice %arg11[%mul3A_2, %dma_wait3A] : memref<10000x64xf32, #tpu.memory_space<vmem_shared>> -> memref<625x64xf32, #tpu.memory_space<vmem_shared>>
    %dma_wait3A_36 = arith.constant 0 : i32
    %dma_wait3A_37 = tpu.memref_slice %arg2[%mul3A_2, %dma_wait3A_36] : memref<10000x64xf32, #tpu.memory_space<hbm>> -> memref<625x64xf32, #tpu.memory_space<hbm>>
    tpu.wait_dma2 semaphore(%arg18 : memref<!tpu.dma_semaphore, #tpu.memory_space<semaphore_mem>>) src(%dma_wait3A_37 : memref<625x64xf32, #tpu.memory_space<hbm>>) dst(%dma_wait3A_35 : memref<625x64xf32, #tpu.memory_space<vmem_shared>>)
    %dma_wait3A_38 = arith.constant 0 : i32
    %dma_wait3A_39 = arith.constant 0 : i32
    %dma_wait3A_40 = tpu.memref_slice %arg3[%add3A, %dma_wait3A_38, %dma_wait3A_39] : memref<32x80x128xi32, #tpu.memory_space<hbm>> -> memref<1x80x128xi32, #tpu.memory_space<hbm>>
    %dma_wait3A_41 = tpu.memref_squeeze %dma_wait3A_40 : memref<1x80x128xi32, #tpu.memory_space<hbm>> -> memref<80x128xi32, #tpu.memory_space<hbm>>
    %dma_wait3A_42 = arith.constant 0 : i32
    %dma_wait3A_43 = arith.constant 0 : i32
    %dma_wait3A_44 = tpu.memref_slice %arg3[%add3A, %dma_wait3A_42, %dma_wait3A_43] : memref<32x80x128xi32, #tpu.memory_space<hbm>> -> memref<1x80x128xi32, #tpu.memory_space<hbm>>
    %dma_wait3A_45 = tpu.memref_squeeze %dma_wait3A_44 : memref<1x80x128xi32, #tpu.memory_space<hbm>> -> memref<80x128xi32, #tpu.memory_space<hbm>>
    tpu.wait_dma2 semaphore(%arg16 : memref<!tpu.dma_semaphore, #tpu.memory_space<semaphore_mem>>) src(%dma_wait3A_45 : memref<80x128xi32, #tpu.memory_space<hbm>>) dst(%arg6 : memref<80x128xi32, #tpu.memory_space<vmem>>)
    %dma_wait3A_46 = arith.constant 0 : i32
    %dma_wait3A_47 = arith.constant 0 : i32
    %dma_wait3A_48 = tpu.memref_slice %arg4[%add3A, %dma_wait3A_46, %dma_wait3A_47] : memref<32x80x128xi32, #tpu.memory_space<hbm>> -> memref<1x80x128xi32, #tpu.memory_space<hbm>>
    %dma_wait3A_49 = tpu.memref_squeeze %dma_wait3A_48 : memref<1x80x128xi32, #tpu.memory_space<hbm>> -> memref<80x128xi32, #tpu.memory_space<hbm>>
    %dma_wait3A_50 = arith.constant 0 : i32
    %dma_wait3A_51 = arith.constant 0 : i32
    %dma_wait3A_52 = tpu.memref_slice %arg4[%add3A, %dma_wait3A_50, %dma_wait3A_51] : memref<32x80x128xi32, #tpu.memory_space<hbm>> -> memref<1x80x128xi32, #tpu.memory_space<hbm>>
    %dma_wait3A_53 = tpu.memref_squeeze %dma_wait3A_52 : memref<1x80x128xi32, #tpu.memory_space<hbm>> -> memref<80x128xi32, #tpu.memory_space<hbm>>
    tpu.wait_dma2 semaphore(%arg17 : memref<!tpu.dma_semaphore, #tpu.memory_space<semaphore_mem>>) src(%dma_wait3A_53 : memref<80x128xi32, #tpu.memory_space<hbm>>) dst(%arg7 : memref<80x128xi32, #tpu.memory_space<vmem>>)
    %barrier3A = arith.constant 0 : index
    tpu.barrier barrier_id(%barrier3A)
    %dma_start3A_54 = arith.constant 0 : i32
    %dma_start3A_55 = arith.constant 0 : i32
    %dma_start3A_56 = tpu.memref_slice %arg6[%dma_start3A_54, %dma_start3A_55] : memref<80x128xi32, #tpu.memory_space<vmem>> -> memref<1x128xi32, #tpu.memory_space<vmem>>
    %dma_start3A_57 = tpu.memref_squeeze %dma_start3A_56 : memref<1x128xi32, #tpu.memory_space<vmem>> -> memref<128xi32, #tpu.memory_space<vmem>>
    %dma_start3A_58 = arith.constant 0 : i32
    %dma_start3A_59 = arith.constant 0 : i32
    %dma_start3A_60 = tpu.memref_slice %arg11[%dma_start3A_58, %dma_start3A_59] : memref<10000x64xf32, #tpu.memory_space<vmem_shared>> -> memref<10000x64xf32, #tpu.memory_space<vmem_shared>>
    tpu.enqueue_indirect_dma source(%dma_start3A_60 : memref<10000x64xf32, #tpu.memory_space<vmem_shared>>) target(%arg8 : memref<128x64xf32, #tpu.memory_space<vmem>>) offsets(%dma_start3A_57 : memref<128xi32, #tpu.memory_space<vmem>>) semaphore(%arg12 : memref<!tpu.dma_semaphore, #tpu.memory_space<semaphore_mem>>)
    %scan3A_61 = arith.constant 0 : i32
    %scan3A_62 = arith.constant 0 : i32
    %scan3A_63 = arith.constant 40 : i32
    %scan3A_64 = arith.addi %scan3A_62, %scan3A_63 : i32
    %scan3A_65 = arith.constant 1 : i32
    %scan3A_66 = scf.for %scan3A_87 = %scan3A_62 to %scan3A_64 step %scan3A_65 iter_args(%scan3A_88 = %scan3A_61) -> (i32)  : i32 {
      %mul3A_89 = arith.constant 2 : i32
      %mul3A_90 = arith.muli %scan3A_87, %mul3A_89 : i32
      %add3A_91 = arith.constant 0 : i32
      %add3A_92 = arith.addi %mul3A_90, %add3A_91 : i32
      %add3A_93 = arith.constant 1 : i32
      %add3A_94 = arith.addi %add3A_92, %add3A_93 : i32
      %lt3A = arith.constant 80 : i32
      %lt3A_95 = arith.cmpi slt, %add3A_94, %lt3A : i32
      %convert_element_type3A = arith.extui %lt3A_95 : i1 to i32
      %cond3A = arith.constant 0 : i32
      %cond3A_96 = arith.cmpi ne, %convert_element_type3A, %cond3A : i32
      scf.if %cond3A_96 {
        %sub3A = arith.constant 1 : i32
        %sub3A_133 = arith.subi %add3A_92, %sub3A : i32
        %ge3A = arith.constant 0 : i32
        %ge3A_134 = arith.cmpi sge, %sub3A_133, %ge3A : i32
        %convert_element_type3A_135 = arith.extui %ge3A_134 : i1 to i32
        %cond3A_136 = arith.constant 0 : i32
        %cond3A_137 = arith.cmpi ne, %convert_element_type3A_135, %cond3A_136 : i32
        scf.if %cond3A_137 {
          %dma_wait3A_146 = arith.constant 0 : i32
          %dma_wait3A_147 = tpu.memref_slice %arg7[%add3A_92, %dma_wait3A_146] : memref<80x128xi32, #tpu.memory_space<vmem>> -> memref<1x128xi32, #tpu.memory_space<vmem>>
          %dma_wait3A_148 = tpu.memref_squeeze %dma_wait3A_147 : memref<1x128xi32, #tpu.memory_space<vmem>> -> memref<128xi32, #tpu.memory_space<vmem>>
          %dma_wait3A_149 = arith.constant 0 : i32
          %dma_wait3A_150 = arith.constant 0 : i32
          %dma_wait3A_151 = tpu.memref_slice %arg10[%dma_wait3A_149, %dma_wait3A_150] : memref<10240x64xf32, #tpu.memory_space<vmem_shared>> -> memref<10240x64xf32, #tpu.memory_space<vmem_shared>>
          tpu.wait_indirect_dma semaphore(%arg15 : memref<!tpu.dma_semaphore, #tpu.memory_space<semaphore_mem>>) src(%arg9 : memref<128x64xf32, #tpu.memory_space<vmem>>) dst(%dma_wait3A_151 : memref<10240x64xf32, #tpu.memory_space<vmem_shared>>)
        } else {
        }
        %add3A_138 = arith.constant 1 : i32
        %add3A_139 = arith.addi %add3A_92, %add3A_138 : i32
        %dma_start3A_140 = arith.constant 0 : i32
        %dma_start3A_141 = tpu.memref_slice %arg6[%add3A_139, %dma_start3A_140] : memref<80x128xi32, #tpu.memory_space<vmem>> -> memref<1x128xi32, #tpu.memory_space<vmem>>
        %dma_start3A_142 = tpu.memref_squeeze %dma_start3A_141 : memref<1x128xi32, #tpu.memory_space<vmem>> -> memref<128xi32, #tpu.memory_space<vmem>>
        %dma_start3A_143 = arith.constant 0 : i32
        %dma_start3A_144 = arith.constant 0 : i32
        %dma_start3A_145 = tpu.memref_slice %arg11[%dma_start3A_143, %dma_start3A_144] : memref<10000x64xf32, #tpu.memory_space<vmem_shared>> -> memref<10000x64xf32, #tpu.memory_space<vmem_shared>>
        tpu.enqueue_indirect_dma source(%dma_start3A_145 : memref<10000x64xf32, #tpu.memory_space<vmem_shared>>) target(%arg9 : memref<128x64xf32, #tpu.memory_space<vmem>>) offsets(%dma_start3A_142 : memref<128xi32, #tpu.memory_space<vmem>>) semaphore(%arg13 : memref<!tpu.dma_semaphore, #tpu.memory_space<semaphore_mem>>)
      } else {
      }
      %dma_wait3A_97 = arith.constant 0 : i32
      %dma_wait3A_98 = tpu.memref_slice %arg6[%add3A_92, %dma_wait3A_97] : memref<80x128xi32, #tpu.memory_space<vmem>> -> memref<1x128xi32, #tpu.memory_space<vmem>>
      %dma_wait3A_99 = tpu.memref_squeeze %dma_wait3A_98 : memref<1x128xi32, #tpu.memory_space<vmem>> -> memref<128xi32, #tpu.memory_space<vmem>>
      %dma_wait3A_100 = arith.constant 0 : i32
      %dma_wait3A_101 = arith.constant 0 : i32
      %dma_wait3A_102 = tpu.memref_slice %arg11[%dma_wait3A_100, %dma_wait3A_101] : memref<10000x64xf32, #tpu.memory_space<vmem_shared>> -> memref<10000x64xf32, #tpu.memory_space<vmem_shared>>
      tpu.wait_indirect_dma semaphore(%arg12 : memref<!tpu.dma_semaphore, #tpu.memory_space<semaphore_mem>>) src(%dma_wait3A_102 : memref<10000x64xf32, #tpu.memory_space<vmem_shared>>) dst(%arg8 : memref<128x64xf32, #tpu.memory_space<vmem>>)
      %dma_start3A_103 = arith.constant 0 : i32
      %dma_start3A_104 = tpu.memref_slice %arg7[%add3A_92, %dma_start3A_103] : memref<80x128xi32, #tpu.memory_space<vmem>> -> memref<1x128xi32, #tpu.memory_space<vmem>>
      %dma_start3A_105 = tpu.memref_squeeze %dma_start3A_104 : memref<1x128xi32, #tpu.memory_space<vmem>> -> memref<128xi32, #tpu.memory_space<vmem>>
      %dma_start3A_106 = arith.constant 0 : i32
      %dma_start3A_107 = arith.constant 0 : i32
      %dma_start3A_108 = tpu.memref_slice %arg10[%dma_start3A_106, %dma_start3A_107] : memref<10240x64xf32, #tpu.memory_space<vmem_shared>> -> memref<10240x64xf32, #tpu.memory_space<vmem_shared>>
      tpu.enqueue_indirect_dma source(%arg8 : memref<128x64xf32, #tpu.memory_space<vmem>>) target(%dma_start3A_108 : memref<10240x64xf32, #tpu.memory_space<vmem_shared>>) offsets(%dma_start3A_105 : memref<128xi32, #tpu.memory_space<vmem>>) semaphore(%arg14 : memref<!tpu.dma_semaphore, #tpu.memory_space<semaphore_mem>>) {add = true}
      %mul3A_109 = arith.constant 2 : i32
      %mul3A_110 = arith.muli %scan3A_87, %mul3A_109 : i32
      %add3A_111 = arith.constant 1 : i32
      %add3A_112 = arith.addi %mul3A_110, %add3A_111 : i32
      %add3A_113 = arith.constant 1 : i32
      %add3A_114 = arith.addi %add3A_112, %add3A_113 : i32
      %lt3A_115 = arith.constant 80 : i32
      %lt3A_116 = arith.cmpi slt, %add3A_114, %lt3A_115 : i32
      %convert_element_type3A_117 = arith.extui %lt3A_116 : i1 to i32
      %cond3A_118 = arith.constant 0 : i32
      %cond3A_119 = arith.cmpi ne, %convert_element_type3A_117, %cond3A_118 : i32
      scf.if %cond3A_119 {
        %sub3A = arith.constant 1 : i32
        %sub3A_133 = arith.subi %add3A_112, %sub3A : i32
        %ge3A = arith.constant 0 : i32
        %ge3A_134 = arith.cmpi sge, %sub3A_133, %ge3A : i32
        %convert_element_type3A_135 = arith.extui %ge3A_134 : i1 to i32
        %cond3A_136 = arith.constant 0 : i32
        %cond3A_137 = arith.cmpi ne, %convert_element_type3A_135, %cond3A_136 : i32
        scf.if %cond3A_137 {
          %dma_wait3A_146 = arith.constant 0 : i32
          %dma_wait3A_147 = tpu.memref_slice %arg7[%add3A_112, %dma_wait3A_146] : memref<80x128xi32, #tpu.memory_space<vmem>> -> memref<1x128xi32, #tpu.memory_space<vmem>>
          %dma_wait3A_148 = tpu.memref_squeeze %dma_wait3A_147 : memref<1x128xi32, #tpu.memory_space<vmem>> -> memref<128xi32, #tpu.memory_space<vmem>>
          %dma_wait3A_149 = arith.constant 0 : i32
          %dma_wait3A_150 = arith.constant 0 : i32
          %dma_wait3A_151 = tpu.memref_slice %arg10[%dma_wait3A_149, %dma_wait3A_150] : memref<10240x64xf32, #tpu.memory_space<vmem_shared>> -> memref<10240x64xf32, #tpu.memory_space<vmem_shared>>
          tpu.wait_indirect_dma semaphore(%arg14 : memref<!tpu.dma_semaphore, #tpu.memory_space<semaphore_mem>>) src(%arg8 : memref<128x64xf32, #tpu.memory_space<vmem>>) dst(%dma_wait3A_151 : memref<10240x64xf32, #tpu.memory_space<vmem_shared>>)
        } else {
        }
        %add3A_138 = arith.constant 1 : i32
        %add3A_139 = arith.addi %add3A_112, %add3A_138 : i32
        %dma_start3A_140 = arith.constant 0 : i32
        %dma_start3A_141 = tpu.memref_slice %arg6[%add3A_139, %dma_start3A_140] : memref<80x128xi32, #tpu.memory_space<vmem>> -> memref<1x128xi32, #tpu.memory_space<vmem>>
        %dma_start3A_142 = tpu.memref_squeeze %dma_start3A_141 : memref<1x128xi32, #tpu.memory_space<vmem>> -> memref<128xi32, #tpu.memory_space<vmem>>
        %dma_start3A_143 = arith.constant 0 : i32
        %dma_start3A_144 = arith.constant 0 : i32
        %dma_start3A_145 = tpu.memref_slice %arg11[%dma_start3A_143, %dma_start3A_144] : memref<10000x64xf32, #tpu.memory_space<vmem_shared>> -> memref<10000x64xf32, #tpu.memory_space<vmem_shared>>
        tpu.enqueue_indirect_dma source(%dma_start3A_145 : memref<10000x64xf32, #tpu.memory_space<vmem_shared>>) target(%arg8 : memref<128x64xf32, #tpu.memory_space<vmem>>) offsets(%dma_start3A_142 : memref<128xi32, #tpu.memory_space<vmem>>) semaphore(%arg12 : memref<!tpu.dma_semaphore, #tpu.memory_space<semaphore_mem>>)
      } else {
      }
      %dma_wait3A_120 = arith.constant 0 : i32
      %dma_wait3A_121 = tpu.memref_slice %arg6[%add3A_112, %dma_wait3A_120] : memref<80x128xi32, #tpu.memory_space<vmem>> -> memref<1x128xi32, #tpu.memory_space<vmem>>
      %dma_wait3A_122 = tpu.memref_squeeze %dma_wait3A_121 : memref<1x128xi32, #tpu.memory_space<vmem>> -> memref<128xi32, #tpu.memory_space<vmem>>
      %dma_wait3A_123 = arith.constant 0 : i32
      %dma_wait3A_124 = arith.constant 0 : i32
      %dma_wait3A_125 = tpu.memref_slice %arg11[%dma_wait3A_123, %dma_wait3A_124] : memref<10000x64xf32, #tpu.memory_space<vmem_shared>> -> memref<10000x64xf32, #tpu.memory_space<vmem_shared>>
      tpu.wait_indirect_dma semaphore(%arg13 : memref<!tpu.dma_semaphore, #tpu.memory_space<semaphore_mem>>) src(%dma_wait3A_125 : memref<10000x64xf32, #tpu.memory_space<vmem_shared>>) dst(%arg9 : memref<128x64xf32, #tpu.memory_space<vmem>>)
      %dma_start3A_126 = arith.constant 0 : i32
      %dma_start3A_127 = tpu.memref_slice %arg7[%add3A_112, %dma_start3A_126] : memref<80x128xi32, #tpu.memory_space<vmem>> -> memref<1x128xi32, #tpu.memory_space<vmem>>
      %dma_start3A_128 = tpu.memref_squeeze %dma_start3A_127 : memref<1x128xi32, #tpu.memory_space<vmem>> -> memref<128xi32, #tpu.memory_space<vmem>>
      %dma_start3A_129 = arith.constant 0 : i32
      %dma_start3A_130 = arith.constant 0 : i32
      %dma_start3A_131 = tpu.memref_slice %arg10[%dma_start3A_129, %dma_start3A_130] : memref<10240x64xf32, #tpu.memory_space<vmem_shared>> -> memref<10240x64xf32, #tpu.memory_space<vmem_shared>>
      tpu.enqueue_indirect_dma source(%arg9 : memref<128x64xf32, #tpu.memory_space<vmem>>) target(%dma_start3A_131 : memref<10240x64xf32, #tpu.memory_space<vmem_shared>>) offsets(%dma_start3A_128 : memref<128xi32, #tpu.memory_space<vmem>>) semaphore(%arg15 : memref<!tpu.dma_semaphore, #tpu.memory_space<semaphore_mem>>) {add = true}
      %scan3A_132 = arith.constant 0 : i32
      scf.yield %scan3A_132 : i32
    }
    %scan3A_67 = arith.constant 40 : i32
    %dma_wait3A_68 = arith.constant 0 : i32
    %dma_wait3A_69 = arith.constant 0 : i32
    %dma_wait3A_70 = tpu.memref_slice %arg7[%dma_wait3A_68, %dma_wait3A_69] : memref<80x128xi32, #tpu.memory_space<vmem>> -> memref<1x128xi32, #tpu.memory_space<vmem>>
    %dma_wait3A_71 = tpu.memref_squeeze %dma_wait3A_70 : memref<1x128xi32, #tpu.memory_space<vmem>> -> memref<128xi32, #tpu.memory_space<vmem>>
    %dma_wait3A_72 = arith.constant 0 : i32
    %dma_wait3A_73 = arith.constant 0 : i32
    %dma_wait3A_74 = tpu.memref_slice %arg10[%dma_wait3A_72, %dma_wait3A_73] : memref<10240x64xf32, #tpu.memory_space<vmem_shared>> -> memref<10240x64xf32, #tpu.memory_space<vmem_shared>>
    tpu.wait_indirect_dma semaphore(%arg14 : memref<!tpu.dma_semaphore, #tpu.memory_space<semaphore_mem>>) src(%arg8 : memref<128x64xf32, #tpu.memory_space<vmem>>) dst(%dma_wait3A_74 : memref<10240x64xf32, #tpu.memory_space<vmem_shared>>)
    %dma_wait3A_75 = arith.constant 0 : i32
    %dma_wait3A_76 = arith.constant 0 : i32
    %dma_wait3A_77 = tpu.memref_slice %arg7[%dma_wait3A_75, %dma_wait3A_76] : memref<80x128xi32, #tpu.memory_space<vmem>> -> memref<1x128xi32, #tpu.memory_space<vmem>>
    %dma_wait3A_78 = tpu.memref_squeeze %dma_wait3A_77 : memref<1x128xi32, #tpu.memory_space<vmem>> -> memref<128xi32, #tpu.memory_space<vmem>>
    %dma_wait3A_79 = arith.constant 0 : i32
    %dma_wait3A_80 = arith.constant 0 : i32
    %dma_wait3A_81 = tpu.memref_slice %arg10[%dma_wait3A_79, %dma_wait3A_80] : memref<10240x64xf32, #tpu.memory_space<vmem_shared>> -> memref<10240x64xf32, #tpu.memory_space<vmem_shared>>
    tpu.wait_indirect_dma semaphore(%arg15 : memref<!tpu.dma_semaphore, #tpu.memory_space<semaphore_mem>>) src(%arg9 : memref<128x64xf32, #tpu.memory_space<vmem>>) dst(%dma_wait3A_81 : memref<10240x64xf32, #tpu.memory_space<vmem_shared>>)
    %barrier3A_82 = arith.constant 0 : index
    tpu.barrier barrier_id(%barrier3A_82)
    %mul3A_83 = arith.constant 640 : i32
    %mul3A_84 = arith.muli %arg1, %mul3A_83 : i32
    %mul3A_85 = arith.constant 640 : i32
    %mul3A_86 = arith.muli %arg1, %mul3A_85 : i32
    "tpu.region"() ({
      %run_scoped3A = tpu.sem_alloc : memref<!tpu.dma_semaphore, #tpu.memory_space<semaphore_mem>>
      %dma_start3A_87 = arith.constant 0 : i32
      %dma_start3A_88 = tpu.memref_slice %arg5[%arg0, %mul3A_86, %dma_start3A_87] : memref<2x10240x64xf32, #tpu.memory_space<hbm>> -> memref<1x640x64xf32, #tpu.memory_space<hbm>>
      %dma_start3A_89 = tpu.memref_squeeze %dma_start3A_88 : memref<1x640x64xf32, #tpu.memory_space<hbm>> -> memref<640x64xf32, #tpu.memory_space<hbm>>
      %dma_start3A_90 = arith.constant 0 : i32
      %dma_start3A_91 = tpu.memref_slice %arg10[%mul3A_84, %dma_start3A_90] : memref<10240x64xf32, #tpu.memory_space<vmem_shared>> -> memref<640x64xf32, #tpu.memory_space<vmem_shared>>
      tpu.enqueue_dma source(%dma_start3A_91 : memref<640x64xf32, #tpu.memory_space<vmem_shared>>) target(%dma_start3A_89 : memref<640x64xf32, #tpu.memory_space<hbm>>) target_semaphore(%run_scoped3A : memref<!tpu.dma_semaphore, #tpu.memory_space<semaphore_mem>>)
      %dma_wait3A_92 = arith.constant 0 : i32
      %dma_wait3A_93 = tpu.memref_slice %arg5[%arg0, %mul3A_86, %dma_wait3A_92] : memref<2x10240x64xf32, #tpu.memory_space<hbm>> -> memref<1x640x64xf32, #tpu.memory_space<hbm>>
      %dma_wait3A_94 = tpu.memref_squeeze %dma_wait3A_93 : memref<1x640x64xf32, #tpu.memory_space<hbm>> -> memref<640x64xf32, #tpu.memory_space<hbm>>
      %dma_wait3A_95 = arith.constant 0 : i32
      %dma_wait3A_96 = tpu.memref_slice %arg10[%mul3A_84, %dma_wait3A_95] : memref<10240x64xf32, #tpu.memory_space<vmem_shared>> -> memref<640x64xf32, #tpu.memory_space<vmem_shared>>
      tpu.wait_dma2 semaphore(%run_scoped3A : memref<!tpu.dma_semaphore, #tpu.memory_space<semaphore_mem>>) src(%dma_wait3A_96 : memref<640x64xf32, #tpu.memory_space<vmem_shared>>) dst(%dma_wait3A_94 : memref<640x64xf32, #tpu.memory_space<hbm>>)
      tpu.yield
    }) : () -> ()
    return
  }
}

#map = affine_map<(d0, d1) -> (0, 0, 0)>
module attributes {stable_mosaic.version = 14 : i64} {
  func.func @_deg_body(%arg0: i32, %arg1: i32, %arg2: memref<32x80x128xi32, #tpu.memory_space<hbm>>, %arg3: memref<2x10240x16xf32, #tpu.memory_space<hbm>>, %arg4: memref<80x128xi32, #tpu.memory_space<vmem>>, %arg5: memref<128x16xf32, #tpu.memory_space<vmem>>, %arg6: memref<10240x16xf32, #tpu.memory_space<vmem_shared>>, %arg7: memref<!tpu.dma_semaphore, #tpu.memory_space<semaphore_mem>>) attributes {dimension_semantics = [#tpu.dimension_semantics<core_parallel>, #tpu.dimension_semantics<subcore_parallel>], iteration_bounds = array<i64: 2, 16>, scalar_prefetch = 0 : i64, scratch_operands = 4 : i64, tpu.core_type = #tpu.core_type<sc_vector_subcore>, window_params = [{transform_indices = #map}, {transform_indices = #map}]} {
    %mul3A = arith.constant 16 : i32
    %mul3A_0 = arith.muli %arg0, %mul3A : i32
    %add3A = arith.addi %mul3A_0, %arg1 : i32
    %scan3A = arith.constant 0 : i32
    %scan3A_1 = arith.constant 0 : i32
    %scan3A_2 = arith.constant 128 : i32
    %scan3A_3 = arith.addi %scan3A_1, %scan3A_2 : i32
    %scan3A_4 = arith.constant 1 : i32
    %scan3A_5 = scf.for %scan3A_33 = %scan3A_1 to %scan3A_3 step %scan3A_4 iter_args(%scan3A_34 = %scan3A) -> (i32)  : i32 {
      %broadcast_in_dim3A = arith.constant 0.000000e+00 : f32
      %broadcast_in_dim3A_35 = vector.broadcast %broadcast_in_dim3A : f32 to vector<16xf32>
      %swap3A = arith.index_cast %scan3A_33 : i32 to index
      %swap3A_36 = arith.constant 0 : index
      %swap3A_37 = tpu.vector_load %arg5[%swap3A, %swap3A_36] {strides = array<i32>} : memref<128x16xf32, #tpu.memory_space<vmem>>, vector<1x16xf32>,
      %swap3A_38 = vector.shape_cast %swap3A_37 : vector<1x16xf32> to vector<16xf32>
      %swap3A_39 = vector.shape_cast %broadcast_in_dim3A_35 : vector<16xf32> to vector<1x16xf32>
      tpu.vector_store %arg5[%swap3A, %swap3A_36], %swap3A_39 {strides = array<i32>} : memref<128x16xf32, #tpu.memory_space<vmem>>, vector<1x16xf32>,
      %scan3A_40 = arith.constant 0 : i32
      scf.yield %scan3A_40 : i32
    }
    %scan3A_6 = arith.constant 128 : i32
    %scan3A_7 = arith.constant 0 : i32
    %scan3A_8 = arith.constant 0 : i32
    %scan3A_9 = arith.constant 5 : i32
    %scan3A_10 = arith.addi %scan3A_8, %scan3A_9 : i32
    %scan3A_11 = arith.constant 1 : i32
    %scan3A_12 = scf.for %scan3A_33 = %scan3A_8 to %scan3A_10 step %scan3A_11 iter_args(%scan3A_34 = %scan3A_7) -> (i32)  : i32 {
      %mul3A_35 = arith.constant 640 : i32
      %mul3A_36 = arith.muli %arg1, %mul3A_35 : i32
      %mul3A_37 = arith.constant 128 : i32
      %mul3A_38 = arith.muli %scan3A_33, %mul3A_37 : i32
      %add3A_39 = arith.addi %mul3A_36, %mul3A_38 : i32
      "tpu.region"() ({
        %run_scoped3A = tpu.sem_alloc : memref<!tpu.dma_semaphore, #tpu.memory_space<semaphore_mem>>
        %dma_start3A = arith.constant 0 : i32
        %dma_start3A_41 = tpu.memref_slice %arg6[%add3A_39, %dma_start3A] : memref<10240x16xf32, #tpu.memory_space<vmem_shared>> -> memref<128x16xf32, #tpu.memory_space<vmem_shared>>
        %dma_start3A_42 = arith.constant 0 : i32
        %dma_start3A_43 = tpu.memref_slice %arg6[%add3A_39, %dma_start3A_42] : memref<10240x16xf32, #tpu.memory_space<vmem_shared>> -> memref<128x16xf32, #tpu.memory_space<vmem_shared>>
        tpu.enqueue_dma source(%arg5 : memref<128x16xf32, #tpu.memory_space<vmem>>) target(%dma_start3A_43 : memref<128x16xf32, #tpu.memory_space<vmem_shared>>) target_semaphore(%run_scoped3A : memref<!tpu.dma_semaphore, #tpu.memory_space<semaphore_mem>>)
        %dma_wait3A = arith.constant 0 : i32
        %dma_wait3A_44 = tpu.memref_slice %arg6[%add3A_39, %dma_wait3A] : memref<10240x16xf32, #tpu.memory_space<vmem_shared>> -> memref<128x16xf32, #tpu.memory_space<vmem_shared>>
        %dma_wait3A_45 = arith.constant 0 : i32
        %dma_wait3A_46 = tpu.memref_slice %arg6[%add3A_39, %dma_wait3A_45] : memref<10240x16xf32, #tpu.memory_space<vmem_shared>> -> memref<128x16xf32, #tpu.memory_space<vmem_shared>>
        tpu.wait_dma2 semaphore(%run_scoped3A : memref<!tpu.dma_semaphore, #tpu.memory_space<semaphore_mem>>) src(%arg5 : memref<128x16xf32, #tpu.memory_space<vmem>>) dst(%dma_wait3A_46 : memref<128x16xf32, #tpu.memory_space<vmem_shared>>)
        tpu.yield
      }) : () -> ()
      %scan3A_40 = arith.constant 0 : i32
      scf.yield %scan3A_40 : i32
    }
    %scan3A_13 = arith.constant 5 : i32
    %scan3A_14 = arith.constant 0 : i32
    %scan3A_15 = arith.constant 0 : i32
    %scan3A_16 = arith.constant 128 : i32
    %scan3A_17 = arith.addi %scan3A_15, %scan3A_16 : i32
    %scan3A_18 = arith.constant 1 : i32
    %scan3A_19 = scf.for %scan3A_33 = %scan3A_15 to %scan3A_17 step %scan3A_18 iter_args(%scan3A_34 = %scan3A_14) -> (i32)  : i32 {
      %broadcast_in_dim3A = arith.constant 1.000000e+00 : f32
      %broadcast_in_dim3A_35 = vector.broadcast %broadcast_in_dim3A : f32 to vector<16xf32>
      %swap3A = arith.index_cast %scan3A_33 : i32 to index
      %swap3A_36 = arith.constant 0 : index
      %swap3A_37 = tpu.vector_load %arg5[%swap3A, %swap3A_36] {strides = array<i32>} : memref<128x16xf32, #tpu.memory_space<vmem>>, vector<1x16xf32>,
      %swap3A_38 = vector.shape_cast %swap3A_37 : vector<1x16xf32> to vector<16xf32>
      %swap3A_39 = vector.shape_cast %broadcast_in_dim3A_35 : vector<16xf32> to vector<1x16xf32>
      tpu.vector_store %arg5[%swap3A, %swap3A_36], %swap3A_39 {strides = array<i32>} : memref<128x16xf32, #tpu.memory_space<vmem>>, vector<1x16xf32>,
      %scan3A_40 = arith.constant 0 : i32
      scf.yield %scan3A_40 : i32
    }
    %scan3A_20 = arith.constant 128 : i32
    "tpu.region"() ({
      %run_scoped3A = tpu.sem_alloc : memref<!tpu.dma_semaphore, #tpu.memory_space<semaphore_mem>>
      %dma_start3A = arith.constant 0 : i32
      %dma_start3A_33 = arith.constant 0 : i32
      %dma_start3A_34 = tpu.memref_slice %arg2[%add3A, %dma_start3A, %dma_start3A_33] : memref<32x80x128xi32, #tpu.memory_space<hbm>> -> memref<1x80x128xi32, #tpu.memory_space<hbm>>
      %dma_start3A_35 = tpu.memref_squeeze %dma_start3A_34 : memref<1x80x128xi32, #tpu.memory_space<hbm>> -> memref<80x128xi32, #tpu.memory_space<hbm>>
      %dma_start3A_36 = arith.constant 0 : i32
      %dma_start3A_37 = arith.constant 0 : i32
      %dma_start3A_38 = tpu.memref_slice %arg2[%add3A, %dma_start3A_36, %dma_start3A_37] : memref<32x80x128xi32, #tpu.memory_space<hbm>> -> memref<1x80x128xi32, #tpu.memory_space<hbm>>
      %dma_start3A_39 = tpu.memref_squeeze %dma_start3A_38 : memref<1x80x128xi32, #tpu.memory_space<hbm>> -> memref<80x128xi32, #tpu.memory_space<hbm>>
      tpu.enqueue_dma source(%dma_start3A_39 : memref<80x128xi32, #tpu.memory_space<hbm>>) target(%arg4 : memref<80x128xi32, #tpu.memory_space<vmem>>) target_semaphore(%run_scoped3A : memref<!tpu.dma_semaphore, #tpu.memory_space<semaphore_mem>>)
      %dma_wait3A = arith.constant 0 : i32
      %dma_wait3A_40 = arith.constant 0 : i32
      %dma_wait3A_41 = tpu.memref_slice %arg2[%add3A, %dma_wait3A, %dma_wait3A_40] : memref<32x80x128xi32, #tpu.memory_space<hbm>> -> memref<1x80x128xi32, #tpu.memory_space<hbm>>
      %dma_wait3A_42 = tpu.memref_squeeze %dma_wait3A_41 : memref<1x80x128xi32, #tpu.memory_space<hbm>> -> memref<80x128xi32, #tpu.memory_space<hbm>>
      %dma_wait3A_43 = arith.constant 0 : i32
      %dma_wait3A_44 = arith.constant 0 : i32
      %dma_wait3A_45 = tpu.memref_slice %arg2[%add3A, %dma_wait3A_43, %dma_wait3A_44] : memref<32x80x128xi32, #tpu.memory_space<hbm>> -> memref<1x80x128xi32, #tpu.memory_space<hbm>>
      %dma_wait3A_46 = tpu.memref_squeeze %dma_wait3A_45 : memref<1x80x128xi32, #tpu.memory_space<hbm>> -> memref<80x128xi32, #tpu.memory_space<hbm>>
      tpu.wait_dma2 semaphore(%run_scoped3A : memref<!tpu.dma_semaphore, #tpu.memory_space<semaphore_mem>>) src(%dma_wait3A_46 : memref<80x128xi32, #tpu.memory_space<hbm>>) dst(%arg4 : memref<80x128xi32, #tpu.memory_space<vmem>>)
      tpu.yield
    }) : () -> ()
    %barrier3A = arith.constant 0 : index
    tpu.barrier barrier_id(%barrier3A)
    %scan3A_21 = arith.constant 0 : i32
    %scan3A_22 = arith.constant 0 : i32
    %scan3A_23 = arith.constant 80 : i32
    %scan3A_24 = arith.addi %scan3A_22, %scan3A_23 : i32
    %scan3A_25 = arith.constant 1 : i32
    %scan3A_26 = scf.for %scan3A_33 = %scan3A_22 to %scan3A_24 step %scan3A_25 iter_args(%scan3A_34 = %scan3A_21) -> (i32)  : i32 {
      "tpu.region"() ({
        %run_scoped3A = tpu.sem_alloc : memref<!tpu.dma_semaphore, #tpu.memory_space<semaphore_mem>>
        %dma_start3A = arith.constant 0 : i32
        %dma_start3A_36 = tpu.memref_slice %arg4[%scan3A_33, %dma_start3A] : memref<80x128xi32, #tpu.memory_space<vmem>> -> memref<1x128xi32, #tpu.memory_space<vmem>>
        %dma_start3A_37 = tpu.memref_squeeze %dma_start3A_36 : memref<1x128xi32, #tpu.memory_space<vmem>> -> memref<128xi32, #tpu.memory_space<vmem>>
        %dma_start3A_38 = arith.constant 0 : i32
        %dma_start3A_39 = arith.constant 0 : i32
        %dma_start3A_40 = tpu.memref_slice %arg6[%dma_start3A_38, %dma_start3A_39] : memref<10240x16xf32, #tpu.memory_space<vmem_shared>> -> memref<10240x16xf32, #tpu.memory_space<vmem_shared>>
        tpu.enqueue_indirect_dma source(%arg5 : memref<128x16xf32, #tpu.memory_space<vmem>>) target(%dma_start3A_40 : memref<10240x16xf32, #tpu.memory_space<vmem_shared>>) offsets(%dma_start3A_37 : memref<128xi32, #tpu.memory_space<vmem>>) semaphore(%run_scoped3A : memref<!tpu.dma_semaphore, #tpu.memory_space<semaphore_mem>>) {add = true}
        %dma_wait3A = arith.constant 0 : i32
        %dma_wait3A_41 = tpu.memref_slice %arg4[%scan3A_33, %dma_wait3A] : memref<80x128xi32, #tpu.memory_space<vmem>> -> memref<1x128xi32, #tpu.memory_space<vmem>>
        %dma_wait3A_42 = tpu.memref_squeeze %dma_wait3A_41 : memref<1x128xi32, #tpu.memory_space<vmem>> -> memref<128xi32, #tpu.memory_space<vmem>>
        %dma_wait3A_43 = arith.constant 0 : i32
        %dma_wait3A_44 = arith.constant 0 : i32
        %dma_wait3A_45 = tpu.memref_slice %arg6[%dma_wait3A_43, %dma_wait3A_44] : memref<10240x16xf32, #tpu.memory_space<vmem_shared>> -> memref<10240x16xf32, #tpu.memory_space<vmem_shared>>
        tpu.wait_indirect_dma semaphore(%run_scoped3A : memref<!tpu.dma_semaphore, #tpu.memory_space<semaphore_mem>>) src(%arg5 : memref<128x16xf32, #tpu.memory_space<vmem>>) dst(%dma_wait3A_45 : memref<10240x16xf32, #tpu.memory_space<vmem_shared>>)
        tpu.yield
      }) : () -> ()
      %scan3A_35 = arith.constant 0 : i32
      scf.yield %scan3A_35 : i32
    }
    %scan3A_27 = arith.constant 80 : i32
    %barrier3A_28 = arith.constant 0 : index
    tpu.barrier barrier_id(%barrier3A_28)
    %mul3A_29 = arith.constant 640 : i32
    %mul3A_30 = arith.muli %arg1, %mul3A_29 : i32
    %mul3A_31 = arith.constant 640 : i32
    %mul3A_32 = arith.muli %arg1, %mul3A_31 : i32
    "tpu.region"() ({
      %run_scoped3A = tpu.sem_alloc : memref<!tpu.dma_semaphore, #tpu.memory_space<semaphore_mem>>
      %dma_start3A = arith.constant 0 : i32
      %dma_start3A_33 = tpu.memref_slice %arg3[%arg0, %mul3A_32, %dma_start3A] : memref<2x10240x16xf32, #tpu.memory_space<hbm>> -> memref<1x640x16xf32, #tpu.memory_space<hbm>>
      %dma_start3A_34 = tpu.memref_squeeze %dma_start3A_33 : memref<1x640x16xf32, #tpu.memory_space<hbm>> -> memref<640x16xf32, #tpu.memory_space<hbm>>
      %dma_start3A_35 = arith.constant 0 : i32
      %dma_start3A_36 = tpu.memref_slice %arg6[%mul3A_30, %dma_start3A_35] : memref<10240x16xf32, #tpu.memory_space<vmem_shared>> -> memref<640x16xf32, #tpu.memory_space<vmem_shared>>
      tpu.enqueue_dma source(%dma_start3A_36 : memref<640x16xf32, #tpu.memory_space<vmem_shared>>) target(%dma_start3A_34 : memref<640x16xf32, #tpu.memory_space<hbm>>) target_semaphore(%run_scoped3A : memref<!tpu.dma_semaphore, #tpu.memory_space<semaphore_mem>>)
      %dma_wait3A = arith.constant 0 : i32
      %dma_wait3A_37 = tpu.memref_slice %arg3[%arg0, %mul3A_32, %dma_wait3A] : memref<2x10240x16xf32, #tpu.memory_space<hbm>> -> memref<1x640x16xf32, #tpu.memory_space<hbm>>
      %dma_wait3A_38 = tpu.memref_squeeze %dma_wait3A_37 : memref<1x640x16xf32, #tpu.memory_space<hbm>> -> memref<640x16xf32, #tpu.memory_space<hbm>>
      %dma_wait3A_39 = arith.constant 0 : i32
      %dma_wait3A_40 = tpu.memref_slice %arg6[%mul3A_30, %dma_wait3A_39] : memref<10240x16xf32, #tpu.memory_space<vmem_shared>> -> memref<640x16xf32, #tpu.memory_space<vmem_shared>>
      tpu.wait_dma2 semaphore(%run_scoped3A : memref<!tpu.dma_semaphore, #tpu.memory_space<semaphore_mem>>) src(%dma_wait3A_40 : memref<640x16xf32, #tpu.memory_space<vmem_shared>>) dst(%dma_wait3A_38 : memref<640x16xf32, #tpu.memory_space<hbm>>)
      tpu.yield
    }) : () -> ()
    return
  }
}

module attributes {stable_mosaic.version = 14 : i64} {
  func.func @_tc1_body(%arg0: i32, %arg1: memref<2000x128xf32, #tpu.memory_space<vmem>>, %arg2: memref<128x64xf32, #tpu.memory_space<vmem>>, %arg3: memref<2x2000x16xf32, #tpu.memory_space<vmem>>, %arg4: memref<2000x64xf32, #tpu.memory_space<vmem>>) attributes {dimension_semantics = [#tpu.dimension_semantics<arbitrary>], iteration_bounds = array<i64: 5>, scalar_prefetch = 0 : i64, scratch_operands = 0 : i64, tpu.core_type = #tpu.core_type<tc>, window_params = [{transform_indices = @transform_0, window_bounds = array<i64: 2000, 128>}, {pipeline_mode = #tpu.pipeline_mode<synchronous>, transform_indices = @transform_1, window_bounds = array<i64: 128, 64>}, {transform_indices = @transform_2, window_bounds = array<i64: 2, 2000, 16>}, {transform_indices = @transform_3, window_bounds = array<i64: 2000, 64>}]} {
    %get3A = arith.constant 0 : index
    %get3A_0 = arith.constant 0 : index
    %get3A_1 = arith.constant 0 : index
    %get3A_2 = vector.load %arg3[%get3A, %get3A_0, %get3A_1] : memref<2x2000x16xf32, #tpu.memory_space<vmem>>, vector<1x2000x1xf32>
    %get3A_3 = vector.shape_cast %get3A_2 : vector<1x2000x1xf32> to vector<2000x1xf32>
    %get3A_4 = arith.constant 1 : index
    %get3A_5 = arith.constant 0 : index
    %get3A_6 = arith.constant 0 : index
    %get3A_7 = vector.load %arg3[%get3A_4, %get3A_5, %get3A_6] : memref<2x2000x16xf32, #tpu.memory_space<vmem>>, vector<1x2000x1xf32>
    %get3A_8 = vector.shape_cast %get3A_7 : vector<1x2000x1xf32> to vector<2000x1xf32>
    %add3A = arith.addf %get3A_3, %get3A_8 : vector<2000x1xf32>
    %add3A_9 = arith.constant 1.000000e+00 : f32
    %add3A_10 = vector.broadcast %add3A_9 : f32 to vector<2000x1xf32>
    %add3A_11 = arith.addf %add3A, %add3A_10 : vector<2000x1xf32>
    %rsqrt3A = math.rsqrt %add3A_11 : vector<2000x1xf32>
    %get3A_12 = arith.constant 0 : index
    %get3A_13 = arith.constant 0 : index
    %get3A_14 = vector.load %arg1[%get3A_12, %get3A_13] : memref<2000x128xf32, #tpu.memory_space<vmem>>, vector<2000x128xf32>
    %get3A_15 = arith.constant 0 : index
    %get3A_16 = arith.constant 0 : index
    %get3A_17 = vector.load %arg2[%get3A_15, %get3A_16] : memref<128x64xf32, #tpu.memory_space<vmem>>, vector<128x64xf32>
    %dot_general3A = arith.constant dense<0.000000e+00> : vector<2000x64xf32>
    %dot_general3A_18 = tpu.matmul %get3A_14, %get3A_17, %dot_general3A {dimension_numbers = #tpu.dot_dimension_numbers<[1], [0], [0], [1], [0, 0, 1, 1], [], []>, transpose_lhs_hint = false} : vector<2000x128xf32>, vector<128x64xf32>, vector<2000x64xf32> -> vector<2000x64xf32>
    %mul3A = vector.broadcast %rsqrt3A : vector<2000x1xf32> to vector<2000x64xf32>
    %mul3A_19 = arith.mulf %dot_general3A_18, %mul3A : vector<2000x64xf32>
    %swap3A = arith.constant 0 : index
    %swap3A_20 = arith.constant 0 : index
    %swap3A_21 = vector.load %arg4[%swap3A, %swap3A_20] : memref<2000x64xf32, #tpu.memory_space<vmem>>, vector<2000x64xf32>
    tpu.vector_store %arg4[%swap3A, %swap3A_20], %mul3A_19 {strides = array<i32>} : memref<2000x64xf32, #tpu.memory_space<vmem>>, vector<2000x64xf32>,
    return
  }
  func.func @transform_0(%arg0: i32) -> (i32, i32) {
    %c0_i32 = arith.constant 0 : i32
    %c0_i32_0 = arith.constant 0 : i32
    return %arg0, %c0_i32 : i32, i32
  }
  func.func @transform_1(%arg0: i32) -> (i32, i32) {
    %c0_i32 = arith.constant 0 : i32
    %c0_i32_0 = arith.constant 0 : i32
    %c0_i32_1 = arith.constant 0 : i32
    return %c0_i32, %c0_i32_0 : i32, i32
  }
  func.func @transform_2(%arg0: i32) -> (i32, i32, i32) {
    %c0_i32 = arith.constant 0 : i32
    %c0_i32_0 = arith.constant 0 : i32
    %c0_i32_1 = arith.constant 0 : i32
    return %c0_i32, %arg0, %c0_i32_0 : i32, i32, i32
  }
  func.func @transform_3(%arg0: i32) -> (i32, i32) {
    %c0_i32 = arith.constant 0 : i32
    %c0_i32_0 = arith.constant 0 : i32
    return %arg0, %c0_i32 : i32, i32
  }
}

module attributes {stable_mosaic.version = 14 : i64} {
  func.func @_tc2_body(%arg0: i32, %arg1: memref<2x2000x64xf32, #tpu.memory_space<vmem>>, %arg2: memref<2000x64xf32, #tpu.memory_space<vmem>>, %arg3: memref<2x2000x16xf32, #tpu.memory_space<vmem>>, %arg4: memref<1x64xf32, #tpu.memory_space<vmem>>, %arg5: memref<64x48xf32, #tpu.memory_space<vmem>>, %arg6: memref<2000x48xf32, #tpu.memory_space<vmem>>) attributes {dimension_semantics = [#tpu.dimension_semantics<arbitrary>], iteration_bounds = array<i64: 5>, scalar_prefetch = 0 : i64, scratch_operands = 0 : i64, tpu.core_type = #tpu.core_type<tc>, window_params = [{transform_indices = @transform_0, window_bounds = array<i64: 2, 2000, 64>}, {transform_indices = @transform_1, window_bounds = array<i64: 2000, 64>}, {transform_indices = @transform_2, window_bounds = array<i64: 2, 2000, 16>}, {pipeline_mode = #tpu.pipeline_mode<synchronous>, transform_indices = @transform_3, window_bounds = array<i64: 1, 64>}, {pipeline_mode = #tpu.pipeline_mode<synchronous>, transform_indices = @transform_4, window_bounds = array<i64: 64, 48>}, {transform_indices = @transform_5, window_bounds = array<i64: 2000, 48>}]} {
    %get3A = arith.constant 0 : index
    %get3A_0 = arith.constant 0 : index
    %get3A_1 = arith.constant 0 : index
    %get3A_2 = vector.load %arg3[%get3A, %get3A_0, %get3A_1] : memref<2x2000x16xf32, #tpu.memory_space<vmem>>, vector<1x2000x1xf32>
    %get3A_3 = vector.shape_cast %get3A_2 : vector<1x2000x1xf32> to vector<2000x1xf32>
    %get3A_4 = arith.constant 1 : index
    %get3A_5 = arith.constant 0 : index
    %get3A_6 = arith.constant 0 : index
    %get3A_7 = vector.load %arg3[%get3A_4, %get3A_5, %get3A_6] : memref<2x2000x16xf32, #tpu.memory_space<vmem>>, vector<1x2000x1xf32>
    %get3A_8 = vector.shape_cast %get3A_7 : vector<1x2000x1xf32> to vector<2000x1xf32>
    %add3A = arith.addf %get3A_3, %get3A_8 : vector<2000x1xf32>
    %add3A_9 = arith.constant 1.000000e+00 : f32
    %add3A_10 = vector.broadcast %add3A_9 : f32 to vector<2000x1xf32>
    %add3A_11 = arith.addf %add3A, %add3A_10 : vector<2000x1xf32>
    %rsqrt3A = math.rsqrt %add3A_11 : vector<2000x1xf32>
    %get3A_12 = arith.constant 0 : index
    %get3A_13 = arith.constant 0 : index
    %get3A_14 = arith.constant 0 : index
    %get3A_15 = vector.load %arg1[%get3A_12, %get3A_13, %get3A_14] : memref<2x2000x64xf32, #tpu.memory_space<vmem>>, vector<1x2000x64xf32>
    %get3A_16 = vector.shape_cast %get3A_15 : vector<1x2000x64xf32> to vector<2000x64xf32>
    %get3A_17 = arith.constant 1 : index
    %get3A_18 = arith.constant 0 : index
    %get3A_19 = arith.constant 0 : index
    %get3A_20 = vector.load %arg1[%get3A_17, %get3A_18, %get3A_19] : memref<2x2000x64xf32, #tpu.memory_space<vmem>>, vector<1x2000x64xf32>
    %get3A_21 = vector.shape_cast %get3A_20 : vector<1x2000x64xf32> to vector<2000x64xf32>
    %add3A_22 = arith.addf %get3A_16, %get3A_21 : vector<2000x64xf32>
    %get3A_23 = arith.constant 0 : index
    %get3A_24 = arith.constant 0 : index
    %get3A_25 = vector.load %arg2[%get3A_23, %get3A_24] : memref<2000x64xf32, #tpu.memory_space<vmem>>, vector<2000x64xf32>
    %add3A_26 = arith.addf %add3A_22, %get3A_25 : vector<2000x64xf32>
    %mul3A = vector.broadcast %rsqrt3A : vector<2000x1xf32> to vector<2000x64xf32>
    %mul3A_27 = arith.mulf %mul3A, %add3A_26 : vector<2000x64xf32>
    %get3A_28 = arith.constant 0 : index
    %get3A_29 = arith.constant 0 : index
    %get3A_30 = vector.load %arg4[%get3A_28, %get3A_29] : memref<1x64xf32, #tpu.memory_space<vmem>>, vector<1x64xf32>
    %add3A_31 = vector.broadcast %get3A_30 : vector<1x64xf32> to vector<2000x64xf32>
    %add3A_32 = arith.addf %mul3A_27, %add3A_31 : vector<2000x64xf32>
    %max3A = arith.constant 0.000000e+00 : f32
    %max3A_33 = vector.broadcast %max3A : f32 to vector<2000x64xf32>
    %max3A_34 = arith.maximumf %add3A_32, %max3A_33 : vector<2000x64xf32>
    %get3A_35 = arith.constant 0 : index
    %get3A_36 = arith.constant 0 : index
    %get3A_37 = vector.load %arg5[%get3A_35, %get3A_36] : memref<64x48xf32, #tpu.memory_space<vmem>>, vector<64x48xf32>
    %dot_general3A = arith.constant dense<0.000000e+00> : vector<2000x48xf32>
    %dot_general3A_38 = tpu.matmul %max3A_34, %get3A_37, %dot_general3A {dimension_numbers = #tpu.dot_dimension_numbers<[1], [0], [0], [1], [0, 0, 1, 1], [], []>, transpose_lhs_hint = false} : vector<2000x64xf32>, vector<64x48xf32>, vector<2000x48xf32> -> vector<2000x48xf32>
    %mul3A_39 = vector.broadcast %rsqrt3A : vector<2000x1xf32> to vector<2000x48xf32>
    %mul3A_40 = arith.mulf %dot_general3A_38, %mul3A_39 : vector<2000x48xf32>
    %swap3A = arith.constant 0 : index
    %swap3A_41 = arith.constant 0 : index
    %swap3A_42 = vector.load %arg6[%swap3A, %swap3A_41] : memref<2000x48xf32, #tpu.memory_space<vmem>>, vector<2000x48xf32>
    tpu.vector_store %arg6[%swap3A, %swap3A_41], %mul3A_40 {strides = array<i32>} : memref<2000x48xf32, #tpu.memory_space<vmem>>, vector<2000x48xf32>,
    return
  }
  func.func @transform_0(%arg0: i32) -> (i32, i32, i32) {
    %c0_i32 = arith.constant 0 : i32
    %c0_i32_0 = arith.constant 0 : i32
    %c0_i32_1 = arith.constant 0 : i32
    return %c0_i32, %arg0, %c0_i32_0 : i32, i32, i32
  }
  func.func @transform_1(%arg0: i32) -> (i32, i32) {
    %c0_i32 = arith.constant 0 : i32
    %c0_i32_0 = arith.constant 0 : i32
    return %arg0, %c0_i32 : i32, i32
  }
  func.func @transform_2(%arg0: i32) -> (i32, i32, i32) {
    %c0_i32 = arith.constant 0 : i32
    %c0_i32_0 = arith.constant 0 : i32
    %c0_i32_1 = arith.constant 0 : i32
    return %c0_i32, %arg0, %c0_i32_0 : i32, i32, i32
  }
  func.func @transform_3(%arg0: i32) -> (i32, i32) {
    %c0_i32 = arith.constant 0 : i32
    %c0_i32_0 = arith.constant 0 : i32
    %c0_i32_1 = arith.constant 0 : i32
    return %c0_i32, %c0_i32_0 : i32, i32
  }
  func.func @transform_4(%arg0: i32) -> (i32, i32) {
    %c0_i32 = arith.constant 0 : i32
    %c0_i32_0 = arith.constant 0 : i32
    %c0_i32_1 = arith.constant 0 : i32
    return %c0_i32, %c0_i32_0 : i32, i32
  }
  func.func @transform_5(%arg0: i32) -> (i32, i32) {
    %c0_i32 = arith.constant 0 : i32
    %c0_i32_0 = arith.constant 0 : i32
    return %arg0, %c0_i32 : i32, i32
  }
}

module attributes {stable_mosaic.version = 14 : i64} {
  func.func @_tc3_body(%arg0: i32, %arg1: memref<2x2000x48xf32, #tpu.memory_space<vmem>>, %arg2: memref<2000x48xf32, #tpu.memory_space<vmem>>, %arg3: memref<2x2000x16xf32, #tpu.memory_space<vmem>>, %arg4: memref<1x48xf32, #tpu.memory_space<vmem>>, %arg5: memref<2000x40xf32, #tpu.memory_space<vmem>>) attributes {dimension_semantics = [#tpu.dimension_semantics<arbitrary>], iteration_bounds = array<i64: 5>, scalar_prefetch = 0 : i64, scratch_operands = 0 : i64, tpu.core_type = #tpu.core_type<tc>, window_params = [{transform_indices = @transform_0, window_bounds = array<i64: 2, 2000, 48>}, {transform_indices = @transform_1, window_bounds = array<i64: 2000, 48>}, {transform_indices = @transform_2, window_bounds = array<i64: 2, 2000, 16>}, {pipeline_mode = #tpu.pipeline_mode<synchronous>, transform_indices = @transform_3, window_bounds = array<i64: 1, 48>}, {transform_indices = @transform_4, window_bounds = array<i64: 2000, 40>}]} {
    %get3A = arith.constant 0 : index
    %get3A_0 = arith.constant 0 : index
    %get3A_1 = arith.constant 0 : index
    %get3A_2 = vector.load %arg3[%get3A, %get3A_0, %get3A_1] : memref<2x2000x16xf32, #tpu.memory_space<vmem>>, vector<1x2000x1xf32>
    %get3A_3 = vector.shape_cast %get3A_2 : vector<1x2000x1xf32> to vector<2000x1xf32>
    %get3A_4 = arith.constant 1 : index
    %get3A_5 = arith.constant 0 : index
    %get3A_6 = arith.constant 0 : index
    %get3A_7 = vector.load %arg3[%get3A_4, %get3A_5, %get3A_6] : memref<2x2000x16xf32, #tpu.memory_space<vmem>>, vector<1x2000x1xf32>
    %get3A_8 = vector.shape_cast %get3A_7 : vector<1x2000x1xf32> to vector<2000x1xf32>
    %add3A = arith.addf %get3A_3, %get3A_8 : vector<2000x1xf32>
    %add3A_9 = arith.constant 1.000000e+00 : f32
    %add3A_10 = vector.broadcast %add3A_9 : f32 to vector<2000x1xf32>
    %add3A_11 = arith.addf %add3A, %add3A_10 : vector<2000x1xf32>
    %rsqrt3A = math.rsqrt %add3A_11 : vector<2000x1xf32>
    %get3A_12 = arith.constant 0 : index
    %get3A_13 = arith.constant 0 : index
    %get3A_14 = arith.constant 0 : index
    %get3A_15 = vector.load %arg1[%get3A_12, %get3A_13, %get3A_14] : memref<2x2000x48xf32, #tpu.memory_space<vmem>>, vector<1x2000x48xf32>
    %get3A_16 = vector.shape_cast %get3A_15 : vector<1x2000x48xf32> to vector<2000x48xf32>
    %get3A_17 = arith.constant 1 : index
    %get3A_18 = arith.constant 0 : index
    %get3A_19 = arith.constant 0 : index
    %get3A_20 = vector.load %arg1[%get3A_17, %get3A_18, %get3A_19] : memref<2x2000x48xf32, #tpu.memory_space<vmem>>, vector<1x2000x48xf32>
    %get3A_21 = vector.shape_cast %get3A_20 : vector<1x2000x48xf32> to vector<2000x48xf32>
    %add3A_22 = arith.addf %get3A_16, %get3A_21 : vector<2000x48xf32>
    %get3A_23 = arith.constant 0 : index
    %get3A_24 = arith.constant 0 : index
    %get3A_25 = vector.load %arg2[%get3A_23, %get3A_24] : memref<2000x48xf32, #tpu.memory_space<vmem>>, vector<2000x48xf32>
    %add3A_26 = arith.addf %add3A_22, %get3A_25 : vector<2000x48xf32>
    %mul3A = vector.broadcast %rsqrt3A : vector<2000x1xf32> to vector<2000x48xf32>
    %mul3A_27 = arith.mulf %mul3A, %add3A_26 : vector<2000x48xf32>
    %get3A_28 = arith.constant 0 : index
    %get3A_29 = arith.constant 0 : index
    %get3A_30 = vector.load %arg4[%get3A_28, %get3A_29] : memref<1x48xf32, #tpu.memory_space<vmem>>, vector<1x48xf32>
    %add3A_31 = vector.broadcast %get3A_30 : vector<1x48xf32> to vector<2000x48xf32>
    %add3A_32 = arith.addf %mul3A_27, %add3A_31 : vector<2000x48xf32>
    %slice3A = vector.extract_strided_slice %add3A_32 {offsets = [0, 0], sizes = [2000, 40], strides = [1, 1]} : vector<2000x48xf32> to vector<2000x40xf32>
    %reduce_max3A = arith.constant dense<0xFF800000> : vector<2000xf32>
    %reduce_max3A_33 = vector.multi_reduction <maximumf>, %slice3A, %reduce_max3A [1] : vector<2000x40xf32> to vector<2000xf32>
    %broadcast_in_dim3A = vector.shape_cast %reduce_max3A_33 : vector<2000xf32> to vector<2000x1xf32>
    %sub3A = vector.broadcast %broadcast_in_dim3A : vector<2000x1xf32> to vector<2000x40xf32>
    %sub3A_34 = arith.subf %slice3A, %sub3A : vector<2000x40xf32>
    %exp3A = math.exp %sub3A_34 : vector<2000x40xf32>
    %reduce_sum3A = arith.constant dense<0.000000e+00> : vector<2000xf32>
    %reduce_sum3A_35 = vector.multi_reduction <add>, %exp3A, %reduce_sum3A [1] : vector<2000x40xf32> to vector<2000xf32>
    %broadcast_in_dim3A_36 = vector.shape_cast %reduce_sum3A_35 : vector<2000xf32> to vector<2000x1xf32>
    %log3A = math.log %broadcast_in_dim3A_36 : vector<2000x1xf32>
    %sub3A_37 = vector.broadcast %log3A : vector<2000x1xf32> to vector<2000x40xf32>
    %sub3A_38 = arith.subf %sub3A_34, %sub3A_37 : vector<2000x40xf32>
    %swap3A = arith.constant 0 : index
    %swap3A_39 = arith.constant 0 : index
    %swap3A_40 = vector.load %arg5[%swap3A, %swap3A_39] : memref<2000x40xf32, #tpu.memory_space<vmem>>, vector<2000x40xf32>
    tpu.vector_store %arg5[%swap3A, %swap3A_39], %sub3A_38 {strides = array<i32>} : memref<2000x40xf32, #tpu.memory_space<vmem>>, vector<2000x40xf32>,
    return
  }
  func.func @transform_0(%arg0: i32) -> (i32, i32, i32) {
    %c0_i32 = arith.constant 0 : i32
    %c0_i32_0 = arith.constant 0 : i32
    %c0_i32_1 = arith.constant 0 : i32
    return %c0_i32, %arg0, %c0_i32_0 : i32, i32, i32
  }
  func.func @transform_1(%arg0: i32) -> (i32, i32) {
    %c0_i32 = arith.constant 0 : i32
    %c0_i32_0 = arith.constant 0 : i32
    return %arg0, %c0_i32 : i32, i32
  }
  func.func @transform_2(%arg0: i32) -> (i32, i32, i32) {
    %c0_i32 = arith.constant 0 : i32
    %c0_i32_0 = arith.constant 0 : i32
    %c0_i32_1 = arith.constant 0 : i32
    return %c0_i32, %arg0, %c0_i32_0 : i32, i32, i32
  }
  func.func @transform_3(%arg0: i32) -> (i32, i32) {
    %c0_i32 = arith.constant 0 : i32
    %c0_i32_0 = arith.constant 0 : i32
    %c0_i32_1 = arith.constant 0 : i32
    return %c0_i32, %c0_i32_0 : i32, i32
  }
  func.func @transform_4(%arg0: i32) -> (i32, i32) {
    %c0_i32 = arith.constant 0 : i32
    %c0_i32_0 = arith.constant 0 : i32
    return %arg0, %c0_i32 : i32, i32
  }
}

</mosaic_0001>

<sc_bundles>
// kernel: kernel.11.cloned.1.call-start
scs
__scs_entry_jumppad:
0x0: {  	(pc) =	sbr.rel $0x88, $3  }
0x1: {  	(tag) =	ssettag $0x0;
	lr =	simm.s32 $0x1  }
0x2: {  	[smem:$0x3F9B] =	sst lr;
	_ =	strace $0xD0000000  }
0x3: {  	_ = 	snop  }
0x4: {  	_ = 	snop  }
0x5: {  	_ = 	snop  }
0x6: {  	_ = 	snop  }
0x7: {  	_ = 	snop  }
__scs_overlays_trampoline_lowered:
0x8: {  	[smem:$0x3FAA] =	sst s0  }
0x9: {  	[smem:$0x3FAB] =	sst s1  }
0xa: {  	[smem:$0x3FAC] =	sst s2  }
0xb: {  	[smem:$0x3FAD] =	sst s3  }
0xc: {  	[smem:$0x3FAE] =	sst s4  }
0xd: {  	[smem:$0x3FAF] =	sst s5  }
0xe: {  	[smem:$0x3FB0] =	sst s6  }
0xf: {  	[smem:$0x3FB1] =	sst s7  }
0x10: {  	[smem:$0x3FB2] =	sst s8  }
0x11: {  	[smem:$0x3FB3] =	sst s9;
	s0 =	simm.s32 @!p0 $0x0  }
0x12: {  	s1 =	sld [smem:$0x3F99];
	s0 =	simm.s32 @p0 $0x1  }
0x13: {  	[smem:$0x3FB4] =	sst s0;
	s0 =	simm.s32 @!p1 $0x0  }
0x14: {  	s2 =	sld [smem:$0x3F98];
	s0 =	simm.s32 @p1 $0x1  }
0x15: {  	[smem:$0x3FB5] =	sst s0;
	s0 =	simm.s32 @!p2 $0x0  }
0x16: {  	s3 =	sld [smem:$0x3FDB];
	s0 =	simm.s32 @p2 $0x1  }
0x17: {  	s4 =	simm.s32 $0x1BF5;
	[smem:$0x3FB7] =	sst s0  }
0x18: {  	s0 =	sld [smem:$0x3F9A];
	_ =	swait.ge [sflag:s4], $0x0  }
0x19: {  	s7 =	sld [smem:$0x3F9B]  }
0x1a: {  	s8 =	sadd.s32 $0xFFFFE003, lr  }
0x1b: {  	s9 =	sadd.s32 $0xFFFFFEF7, lr;
	s5 =	simm.s32 $0xFFFFFFFF;
	p2 =	slt.u32 s8, $0xFFFFF086  }
0x1c: {  	p1 =	slt.u32 s9, $0xF7A;
	s5 =	simm.s32 @!p2 $0x0  }
0x1d: {  	s5 =	simm.s32 @p1 $0x1;
	p0 =	seq.s32 s7, s2  }
0x1e: {  	s7 =	smul.u32 @!p0 $0xF7A, s2;
	p2 =	seq.s32 @!p0 s5, $0x0  }
0x1f: {  	s9 =	smul.u32 $0xF7A, s1;
	s8 =	simm.s32 @!p0 $0x1BF5;
	p2 =	por !p2, p0  }
0x20: {  	[sflag:s8] =	ssyncset.s32 @!p0 $0xFFFFF086;
	s6 =	sadd.s32 @!p0 s3, s7;
	s7 =	simm.s32 @!p0 $0x108  }
0x21: {  	s3 =	sadd.s32 s3, s9;
	s6 =	sadd.s32 @!p0 $0x88, s6;
	s7 =	simm.s32 @p2 $0x1082  }
0x22: {  	[simem:s7], [sflag:s8] =	dma.local @!p0 [hbm:s6], $0xF7A  }
0x23: {  	s9 =	sor.u32 $0xD0000000, s2;
	s6 =	simm.s32 $0x108;
	_ =	swait.ge @!p0 [sflag:s8], $0x0  }
0x24: {  	s3 =	sadd.s32 $0x88, s3;
	s6 =	simm.s32 @!p1 $0x1082;
	[sflag:s4] =	ssyncset.s32 $0xFFFFF086  }
0x25: {  	[simem:s6], [sflag:s4] =	dma.local [hbm:s3], $0xF7A  }
0x26: {  	[smem:$0x3F9B] =	sst s1;
	(tag) =	ssettag s2;
	_ =	strace s9  }
0x27: {  	s1 =	sld [smem:$0x3FAB]  }
0x28: {  	s2 =	sld [smem:$0x3FAC]  }
0x29: {  	s4 =	sld [smem:$0x3FAE]  }
0x2a: {  	p0 =	seq.s32 s5, $0x0;
	s5 =	sld [smem:$0x3FAF]  }
0x2b: {  	s6 =	sld [smem:$0x3FB0]  }
0x2c: {  	s7 =	sld [smem:$0x3FB1]  }
0x2d: {  	s3 =	simm.s32 $0x108;
	s8 =	sld [smem:$0x3FB2]  }
0x2e: {  	s3 =	simm.s32 @!p0 $0x1082;
	s9 =	sld [smem:$0x3FB3]  }
0x2f: {  	lr =	sadd.s32 s0, s3;
	s0 =	sld [smem:$0x3FAA]  }
0x30: {  	s3 =	sld [smem:$0x3FAD]  }
0x31: {  	[smem:$0x3FB6] =	sst s10  }
0x32: {  	s10 =	sld [smem:$0x3FB4];
	_ =	sdelay $0x3  }
0x33: {  	p0 =	seq.s32 s10, $0x1;
	s10 =	sld [smem:$0x3FB6];
	_ =	sdelay $0x3  }
0x34: {  	[smem:$0x3FB6] =	sst s10  }
0x35: {  	s10 =	sld [smem:$0x3FB5];
	_ =	sdelay $0x3  }
0x36: {  	p1 =	seq.s32 s10, $0x1;
	s10 =	sld [smem:$0x3FB6];
	_ =	sdelay $0x3  }
0x37: {  	[smem:$0x3FB6] =	sst s10  }
0x38: {  	s10 =	sld [smem:$0x3FB7]  }
0x39: {  	_ = 	snop;
	(pc) =	sbr.ind lr, $3  }
0x3a: {  	_ = 	snop  }
0x3b: {  	_ = 	snop  }
0x3c: {  	p2 =	seq.s32 s10, $0x1;
	s10 =	sld [smem:$0x3FB6]  }
0x3d: {  	_ =	shalt  }
0x3e: {  	_ =	shalt  }
0x3f: {  	_ =	shalt  }
0x40: {  	_ =	shalt  }
0x41: {  	_ =	shalt  }
0x42: {  	_ =	shalt  }
0x43: {  	_ =	shalt  }
0x44: {  	_ =	shalt  }
0x45: {  	_ =	shalt  }
0x46: {  	_ =	shalt  }
0x47: {  	_ =	shalt  }
0x48: {  	_ =	shalt  }
0x49: {  	_ =	shalt  }
0x4a: {  	_ =	shalt  }
0x4b: {  	_ =	shalt  }
0x4c: {  	_ =	shalt  }
0x4d: {  	_ =	shalt  }
0x4e: {  	_ =	shalt  }
0x4f: {  	_ =	shalt  }
0x50: {  	_ =	shalt  }
0x51: {  	_ =	shalt  }
0x52: {  	_ =	shalt  }
0x53: {  	_ =	shalt  }
0x54: {  	_ =	shalt  }
0x55: {  	_ =	shalt  }
0x56: {  	_ =	shalt  }
0x57: {  	_ =	shalt  }
0x58: {  	_ =	shalt  }
0x59: {  	_ =	shalt  }
0x5a: {  	_ =	shalt  }
0x5b: {  	_ =	shalt  }
0x5c: {  	_ =	shalt  }
0x5d: {  	_ =	shalt  }
0x5e: {  	_ =	shalt  }
0x5f: {  	_ =	shalt  }
0x60: {  	_ =	shalt  }
0x61: {  	_ =	shalt  }
0x62: {  	_ =	shalt  }
0x63: {  	_ =	shalt  }
0x64: {  	_ =	shalt  }
0x65: {  	_ =	shalt  }
0x66: {  	_ =	shalt  }
0x67: {  	_ =	shalt  }
0x68: {  	_ =	shalt  }
0x69: {  	_ =	shalt  }
0x6a: {  	_ =	shalt  }
0x6b: {  	_ =	shalt  }
0x6c: {  	_ =	shalt  }
0x6d: {  	_ =	shalt  }
0x6e: {  	_ =	shalt  }
0x6f: {  	_ =	shalt  }
0x70: {  	_ =	shalt  }
0x71: {  	_ =	shalt  }
0x72: {  	_ =	shalt  }
0x73: {  	_ =	shalt  }
0x74: {  	_ =	shalt  }
0x75: {  	_ =	shalt  }
0x76: {  	_ =	shalt  }
0x77: {  	_ =	shalt  }
0x78: {  	_ =	shalt  }
0x79: {  	_ =	shalt  }
0x7a: {  	_ =	shalt  }
0x7b: {  	_ =	shalt  }
0x7c: {  	_ =	shalt  }
0x7d: {  	_ =	shalt  }
0x7e: {  	_ =	shalt  }
0x7f: {  	_ =	shalt  }
0x80: {  	_ =	shalt  }
0x81: {  	_ =	shalt  }
0x82: {  	_ =	shalt  }
0x83: {  	_ =	shalt  }
0x84: {  	_ =	shalt  }
0x85: {  	_ =	shalt  }
0x86: {  	_ =	shalt  }
0x87: {  	_ =	shalt  }
.Lfunc_end0:
.L_simem_size_0:
called_computation.1_lowered:
.L_overlay_start_0:
0x88: {  	s2 =	sld [smem:$0x3FD9]  }
0x89: {  	s3 =	sld [smem:$0x3FFE];
	_ =	sdelay $0x1  }
0x8a: {  	s1 =	srdreg.scid  }
0x8b: {  	s0 =	sand.u32 $0x1, s1  }
0x8c: {  	s17 =	sshll.u32 s0, $0xA;
	s2 =	sadd.s32 s3, s2  }
0x8d: {  	s2 =	sadd.s32 s2, s17  }
0x8e: {  	[smem:$0x3FC2] =	sst s2  }
0x8f: {  	_ = 	snop  }
0x90: {  	s2 =	sld [smem:$0x3FD0];
	(tm) =	ssettm $0x1  }
0x91: {  	s18 =	sld [smem:$0x3FFB];
	_ =	sdelay $0x3  }
0x92: {  	_ =	strace s18  }
0x93: {  	s3 =	sld [smem:$0x3FFC];
	_ =	sdelay $0x3  }
0x94: {  	_ =	strace s3  }
0x95: {  	s3 =	sld [smem:$0x3FFD];
	_ =	sdelay $0x3  }
0x96: {  	_ =	strace s3  }
0x97: {  	_ =	strace $0x8FFFFFFF  }
0x98: {  	s19 =	sld [smem:$0x3FDB];
	_ =	sdelay $0x1  }
0x99: {  	s4 =	simm.s32 $_scs_section_size  }
0x9a: {  	s5 =	simm.s32 $_size__tile_overlayer_lowered;
	s6 =	simm.s32 $_tile_overlayer_lowered  }
0x9b: {  	s22 =	simm.s32 $0x1BFF;
	s21 =	sshll.u32 s6, $0x1;
	s3 =	sadd.s32 s4, s19  }
0x9c: {  	s7 =	simm.s32 $0x0;
	s20 =	sshll.u32 s5, $0x1;
	s5 =	sadd.s32 s21, s3  }
0x9d: {  	[timem:s7], [sflag:s22] =	dma.local [hbm:s5], s20  }
0x9e: {  	_ =	swait.ge [sflag:s22], s20  }
0x9f: {  	s4 =	ssub.s32 $0x0, s20;
	[sflag:s22] =	ssyncset.done $0x0  }
0xa0: {  	[sflag:s22] =	ssyncadd.s32 s4;
	_ =	sdelay $0x1  }
0xa1: {  	s23 =	simm.s32 $0x1B8B  }
0xa2: {  	_ =	swait.ge [sflag:s23], $0x1  }
0xa3: {  	[sflag:s23] =	ssyncset.done $0x0  }
0xa4: {  	s25 =	simm.s32 $0x1B8E;
	s24 =	sld [smem:$0x3FFE];
	[sflag:s23] =	ssyncadd.s32 $0xFFFFFFFF  }
0xa5: {  	s26 =	simm.s32 $execute0_lowered;
	[smem:$0x3FD2] =	sst s25  }
0xa6: {  	s5 =	sshll.u32 s26, $0x1;
	_ =	strace $0x80000049;
	[dreg:$0x1] =	wrdreg $0xFFFFFFFF  }
0xa7: {  	s28 =	simm.s32 $_size_execute0_lowered;
	s3 =	sadd.s32 s3, s5;
	[dreg:$0x0] =	wrdreg $0x0  }
0xa8: {  	s5 =	sshll.u32 s28, $0x1;
	[dreg:$0x2] =	wrdreg s3  }
0xa9: {  	[dreg:$0x3] =	wrdreg s5  }
0xaa: {  	[dreg:$0x4] =	wrdreg $0xC0  }
0xab: {  	_ =	task [dreg:s7], $0x5FFFF  }
0xac: {  	[dreg:$0x1] =	wrdreg $0xFFFFFFFF  }
0xad: {  	[dreg:$0x0] =	wrdreg $0x60  }
0xae: {  	[dreg:$0x2] =	wrdreg s24  }
0xaf: {  	[dreg:$0x3] =	wrdreg s2  }
0xb0: {  	[dreg:$0x4] =	wrdreg $0x130000  }
0xb1: {  	[dreg:$0x5] =	wrdreg $0x90000  }
0xb2: {  	[dreg:$0x6] =	wrdreg $0x9  }
0xb3: {  	_ =	task.clear_ibuf [dreg:s7], $0x7FFFF;
	_ =	strace $0x90000049  }
0xb4: {  	s29 =	simm.s32 $0x9;
	_ =	strace $0x8000004B  }
0xb5: {  	_ =	swait.ge [sflag:s29], $0x1  }
0xb6: {  	[sflag:s29] =	ssyncadd.s32 $0xFFFFFFFF  }
0xb7: {  	_ =	strace $0x9000004B  }
0xb8: {  	_ =	sfence  }
0xb9: {  	s30 =	sld [smem:$0x0];
	_ =	sdelay $0x2  }
0xba: {  	s31 =	sshll.u32 s1, $0xD;
	s1 =	sshrl.u32 s1, $0x2  }
0xbb: {  	s3 =	sand.u32 $0x4000, s31;
	s1 =	sadd.s32 s1, s30  }
0xbc: {  	s0 =	sor.u32 s3, s0;
	s1 =	sshll.u32 s1, $0x11  }
0xbd: {  	s0 =	sor.u32 s1, s0  }
0xbe: {  	s0 =	sadd.s32 $0x8F2B, s0  }
0xbf: {  	[sflag:s0] =	ssyncadd.remote.s32 $0x1  }
0xc0: {  	_ =	sfence.sel $0xFFFF  }
0xc1: {  	[dreg:$0x0] =	wrdreg $0xFFFFFFFF;
	(pc) =	sbr.abs _section_cstart, $3  }
0xc2: {  	[dreg:$0x1] =	wrdreg $0xFFFFFFFF  }
0xc3: {  	_ =	task.clear_ibuf [dreg:s7], $0x2FFFF;
	_ =	strace $0x9FFFFFFF  }
0xc4: {  	(tm) =	ssettm $0x7FFFFFFF  }
0xc5: {  	_ =	shalt  }
tec
execute0_lowered:
.L_overlay_start_1:
0x0: {  	(tag) =	ssettag $0x1  }
0x1: {  	s0 =	rddreg [dreg:$0x0]  }
0x2: {  	s1 =	rddreg [dreg:$0x1]  }
0x3: {  	s2 =	rddreg [dreg:$0x2];
	s13 =	stileid.u32  }
0x4: {  	s4 =	srdreg.scid;
	s3 =	rddreg [dreg:$0x3];
	s18 =	simm.s32 $0x2800  }
0x5: {  	s19 =	simm.s32 $0x5000;
	s20 =	simm.s32 $0x8;
	s21 =	simm.s32 $0x7  }
0x6: {  	s22 =	simm.s32 $0x5;
	s28 =	simm.s32 $0x1;
	s5 =	smul.u32 $0x9C40, s13  }
0x7: {  	s29 =	simm.s32 $0x3;
	s31 =	simm.s32 $0x2;
	s12 =	smul.u32 $0xA000, s13  }
0x8: {  	s6 =	sand.u32 $0x1, s4;
	s4 =	simm.s32 $0x0;
	s11 =	smul.u32 $0x28000, s13  }
0x9: {  	s7 =	sshll.u32 s6, $0x4;
	s8 =	smul.u32 $0xA0000, s6;
	[smem:$0x7FF] =	sst s4  }
0xa: {  	s6 =	ssub.s32 $0x2, s6;
	s7 =	sor.u32 s13, s7;
	s9 =	sshrl.u32 s5, $0x3  }
0xb: {  	_ =	strace $0x8000004A;
	s25 =	sshrl.u32 s6, $0x1;
	s17 =	sadd.s32 s5, s2  }
0xc: {  	s5 =	sshll.u32 s13, $0x6;
	s11 =	sshrl.u32 s11, $0x2;
	s30 =	sadd.s32 s12, s3  }
0xd: {  	s10 =	smul.u32 $0x500, s7;
	s23 =	sadd.s32 s9, s0;
	s8 =	sadd.s32 s12, s8  }
0xe: {  	s6 =	ssub.s32 s6, s25;
	s26 =	sor.u32 $0x1C07, s5;
	s17 =	sshrl.u32 s17, $0x3  }
0xf: {  	s25 =	sshrl.u32 s30, $0x3;
	s8 =	sshrl.u32 s8, $0x3;
	s7 =	sadd.s32 $0x8CC00, s23  }
0x10: {  	[dreg:$0x6] =	wrdreg s26;
	s12 =	smax.u32 s6, $0x1;
	s23 =	simm.s32 $0x6  }
0x11: {  	s26 =	simm.s32 $0x7000;
	s24 =	sadd.s32 s10, s0;
	s0 =	sadd.s32 s8, s0  }
0x12: {  	[dreg:$0x5] =	wrdreg s7;
	s9 =	sadd.s32 s1, s10;
	s10 =	sadd.s32 s11, s3  }
0x13: {  	s1 =	simm.s32 $0x0;
	s8 =	sadd.s32 $0xBA00, s24;
	s11 =	sadd.s32 $0xA0600, s0  }
0x14: {  	s13 =	sadd.s32 $0x2000, s10;
	s14 =	sadd.s32 $0x4000, s10;
	s15 =	sadd.s32 $0x6000, s10  }
0x15: {  	v0 =	vimm.f32 $0.0e+00;
	s16 =	sadd.s32 $0x8000, s10;
	s24 =	simm.s32 $0x80;
	s0 =	simm.s32 $0x4  }
.LBB2_1:
0x16: {  	s6 =	rddreg [dreg:$0x5]  }
0x17: {  	s7 =	rddreg [dreg:$0x6]  }
0x18: {  	[spmem:s17], [sflag:s7] =	dma.local [hbm:s6], $0x1388  }
0x19: {  	[tilespmem:s4], [sflag:$0x5] =	stream.linear.gather [hbm4b:s8+s4], $0x2800, $0x38;
	[tilespmem:$0x1CC40] =	vst v63  }
0x1a: {  	s30 =	simm.s32 $0x0;
	s6 =	simm.s32 $0x100  }
0x1b: {  	[tilespmem:s18], [sflag:$0x6] =	stream.linear.gather [hbm4b:s9+s4], $0x2800, $0x38;
	[tilespmem:$0x1CC40] =	vst v63  }
.LBB2_2:
0x1c: {  	p0 =	sne.s32 s6, $0x7F00;
	[tilespmem:s30+$0x5030] =	vst v0;
	s7 =	smov.u32 s6;
	s6 =	sadd.s32 $0x100, s6  }
.Ltmp0:
0x1d: {  	[tilespmem:s30+$0x5020] =	vst v0;
	(pc) =	sbr.rel @p0 .LBB2_2-.Ltmp0, $3  }
0x1e: {  	[tilespmem:s30+$0x5000] =	vst v0  }
0x1f: {  	[tilespmem:s30+$0x5010] =	vst v0;
	_ =	sdelay $0x1  }
0x20: {  	s30 =	sshra.s32 s7, $0x2  }
0x21: {  	[tilespmem:s30+$0x5030] =	vst v0  }
0x22: {  	[tilespmem:s30+$0x5020] =	vst v0  }
0x23: {  	[tilespmem:s30+$0x5000] =	vst v0  }
0x24: {  	[tilespmem:s30+$0x5010] =	vst v0  }
0x25: {  	[spmem:s10] =	stream.linear.scatter [tilespmem:s19], [sflag:$0x8], $0x2000, $0x38;
	[tilespmem:$0x1CC40] =	vst v63  }
0x26: {  	_ =	swait.ge [sflag:s20], $0x2000  }
0x27: {  	[sflag:s20] =	ssyncset.done $0x0  }
0x28: {  	[sflag:s20] =	ssyncadd.s32 $0xFFFFE000  }
0x29: {  	[spmem:s13] =	stream.linear.scatter [tilespmem:s19], [sflag:$0x8], $0x2000, $0x38;
	[tilespmem:$0x1CC40] =	vst v63  }
0x2a: {  	_ =	swait.ge [sflag:s20], $0x2000  }
0x2b: {  	[sflag:s20] =	ssyncset.done $0x0  }
0x2c: {  	[sflag:s20] =	ssyncadd.s32 $0xFFFFE000  }
0x2d: {  	[spmem:s14] =	stream.linear.scatter [tilespmem:s19], [sflag:$0x8], $0x2000, $0x38;
	[tilespmem:$0x1CC40] =	vst v63  }
0x2e: {  	_ =	swait.ge [sflag:s20], $0x2000  }
0x2f: {  	[sflag:s20] =	ssyncset.done $0x0  }
0x30: {  	[sflag:s20] =	ssyncadd.s32 $0xFFFFE000  }
0x31: {  	[spmem:s15] =	stream.linear.scatter [tilespmem:s19], [sflag:$0x8], $0x2000, $0x38;
	[tilespmem:$0x1CC40] =	vst v63  }
0x32: {  	_ =	swait.ge [sflag:s20], $0x2000  }
0x33: {  	[sflag:s20] =	ssyncset.done $0x0  }
0x34: {  	[sflag:s20] =	ssyncadd.s32 $0xFFFFE000  }
0x35: {  	[spmem:s16] =	stream.linear.scatter [tilespmem:s19], [sflag:$0x8], $0x2000, $0x38;
	[tilespmem:$0x1CC40] =	vst v63  }
0x36: {  	_ =	swait.ge [sflag:s20], $0x2000  }
0x37: {  	[sflag:s20] =	ssyncset.done $0x0  }
0x38: {  	[sflag:s20] =	ssyncadd.s32 $0xFFFFE000  }
0x39: {  	_ =	swait.ge [sflag:s21], $0x1388  }
0x3a: {  	[sflag:s21] =	ssyncset.done $0x0  }
0x3b: {  	[sflag:s21] =	ssyncadd.s32 $0xFFFFEC78  }
0x3c: {  	_ =	swait.ge [sflag:s22], $0x2800  }
0x3d: {  	[sflag:s22] =	ssyncset.done $0x0  }
0x3e: {  	[sflag:s22] =	ssyncadd.s32 $0xFFFFD800  }
0x3f: {  	_ =	swait.ge [sflag:s23], $0x2800  }
0x40: {  	[sflag:s23] =	ssyncset.done $0x0  }
0x41: {  	[sflag:s23] =	ssyncadd.s32 $0xFFFFD800  }
0x42: {  	[bflag:$0x0] =	sbarrier.arrive $0xFFFF  }
0x43: {  	[tilespmem:s19], [sflag:$0x1] =	stream.indirect.gather [spmem:s2], $0x40, s4, s24, $0xb8;
	[tilespmem:$0x1CC40] =	vst v63  }
0x44: {  	_ = 	snop  }
0x45: {  	[tilespmem:s26], [sflag:$0x2] =	stream.indirect.gather [spmem:s2], $0x40, s24, s24, $0xb8;
	[tilespmem:$0x1CC40] =	vst v63  }
0x46: {  	_ =	swait.ge [sflag:s28], $0x2000  }
0x47: {  	[sflag:s28] =	ssyncset.done $0x0  }
0x48: {  	[sflag:s28] =	ssyncadd.s32 $0xFFFFE000  }
0x49: {  	[spmem:s3] =	stream.indirect.scatter.add.f32 [tilespmem:s19], [sflag:$0x3], $0x40, s18, s24, $0xb8;
	[tilespmem:$0x1CC40] =	vst v63  }
0x4a: {  	_ =	swait.ge [sflag:s29], $0x2000  }
0x4b: {  	[sflag:s29] =	ssyncset.done $0x0  }
0x4c: {  	s6 =	simm.s32 $0x100;
	[sflag:s29] =	ssyncadd.s32 $0xFFFFE000  }
0x4d: {  	[tilespmem:s19], [sflag:$0x1] =	stream.indirect.gather [spmem:s2], $0x40, s6, s24, $0xb8;
	[tilespmem:$0x1CC40] =	vst v63  }
0x4e: {  	_ =	swait.ge [sflag:s31], $0x2000  }
0x4f: {  	[sflag:s31] =	ssyncset.done $0x0  }
0x50: {  	s7 =	simm.s32 $0x2880;
	[sflag:s31] =	ssyncadd.s32 $0xFFFFE000  }
0x51: {  	[spmem:s3] =	stream.indirect.scatter.add.f32 [tilespmem:s26], [sflag:$0x4], $0x40, s7, s24, $0xb8;
	[tilespmem:$0x1CC40] =	vst v63  }
0x52: {  	_ =	swait.ge [sflag:s0], $0x2000  }
0x53: {  	[sflag:s0] =	ssyncset.done $0x0  }
0x54: {  	s7 =	simm.s32 $0x180;
	[sflag:s0] =	ssyncadd.s32 $0xFFFFE000  }
0x55: {  	[tilespmem:s26], [sflag:$0x2] =	stream.indirect.gather [spmem:s2], $0x40, s7, s24, $0xb8;
	[tilespmem:$0x1CC40] =	vst v63  }
0x56: {  	_ =	swait.ge [sflag:s28], $0x2000  }
0x57: {  	[sflag:s28] =	ssyncset.done $0x0  }
0x58: {  	s7 =	simm.s32 $0x2900;
	[sflag:s28] =	ssyncadd.s32 $0xFFFFE000  }
0x59: {  	[spmem:s3] =	stream.indirect.scatter.add.f32 [tilespmem:s19], [sflag:$0x3], $0x40, s7, s24, $0xb8;
	[tilespmem:$0x1CC40] =	vst v63  }
0x5a: {  	_ =	swait.ge [sflag:s29], $0x2000  }
0x5b: {  	[sflag:s29] =	ssyncset.done $0x0  }
0x5c: {  	s7 =	simm.s32 $0x200;
	[sflag:s29] =	ssyncadd.s32 $0xFFFFE000  }
0x5d: {  	[tilespmem:s19], [sflag:$0x1] =	stream.indirect.gather [spmem:s2], $0x40, s7, s24, $0xb8;
	[tilespmem:$0x1CC40] =	vst v63  }
0x5e: {  	_ =	swait.ge [sflag:s31], $0x2000  }
0x5f: {  	[sflag:s31] =	ssyncset.done $0x0  }
0x60: {  	s30 =	simm.s32 $0xFFFF6C00;
	s6 =	simm.s32 $0x2980;
	[sflag:s31] =	ssyncadd.s32 $0xFFFFE000  }
.LBB2_4:
0x61: {  	[spmem:s3] =	stream.indirect.scatter.add.f32 [tilespmem:s26], [sflag:$0x4], $0x40, s6, s24, $0xb8;
	[tilespmem:$0x1CC40] =	vst v63  }
0x62: {  	s6 =	smov.u32 s30  }
0x63: {  	p0 =	sne.s32 s30, $0xFFFFFC00;
	s30 =	sadd.s32 $0x400, s30;
	_ =	swait.ge [sflag:s0], $0x2000  }
0x64: {  	s6 =	sshra.s32 s6, $0x2;
	[sflag:s0] =	ssyncset.done $0x0  }
0x65: {  	s7 =	sadd.s32 $0x2780, s6;
	[sflag:s0] =	ssyncadd.s32 $0xFFFFE000  }
0x66: {  	[tilespmem:s26], [sflag:$0x2] =	stream.indirect.gather [spmem:s2], $0x40, s7, s24, $0xb8;
	[tilespmem:$0x1CC40] =	vst v63  }
0x67: {  	_ =	swait.ge [sflag:s28], $0x2000  }
0x68: {  	[sflag:s28] =	ssyncset.done $0x0  }
0x69: {  	s7 =	sadd.s32 $0x4F00, s6;
	[sflag:s28] =	ssyncadd.s32 $0xFFFFE000  }
0x6a: {  	[spmem:s3] =	stream.indirect.scatter.add.f32 [tilespmem:s19], [sflag:$0x3], $0x40, s7, s24, $0xb8;
	[tilespmem:$0x1CC40] =	vst v63  }
0x6b: {  	_ =	swait.ge [sflag:s29], $0x2000  }
0x6c: {  	[sflag:s29] =	ssyncset.done $0x0  }
.Ltmp1:
0x6d: {  	s7 =	sadd.s32 $0x2800, s6;
	[sflag:s29] =	ssyncadd.s32 $0xFFFFE000;
	(pc) =	sbr.rel @p0 .LBB2_4-.Ltmp1, $4  }
0x6e: {  	[tilespmem:s19], [sflag:$0x1] =	stream.indirect.gather [spmem:s2], $0x40, s7, s24, $0xb8;
	[tilespmem:$0x1CC40] =	vst v63  }
0x6f: {  	_ =	swait.ge [sflag:s31], $0x2000  }
0x70: {  	[sflag:s31] =	ssyncset.done $0x0  }
0x71: {  	s6 =	sadd.s32 $0x4F80, s6;
	[sflag:s31] =	ssyncadd.s32 $0xFFFFE000  }
0x72: {  	[spmem:s3] =	stream.indirect.scatter.add.f32 [tilespmem:s26], [sflag:$0x4], $0x40, s6, s24, $0xb8;
	[tilespmem:$0x1CC40] =	vst v63  }
0x73: {  	_ =	swait.ge [sflag:s0], $0x2000  }
0x74: {  	[sflag:s0] =	ssyncset.done $0x0  }
0x75: {  	s7 =	simm.s32 $0x2780;
	[sflag:s0] =	ssyncadd.s32 $0xFFFFE000  }
0x76: {  	[tilespmem:s26], [sflag:$0x2] =	stream.indirect.gather [spmem:s2], $0x40, s7, s24, $0xb8;
	[tilespmem:$0x1CC40] =	vst v63  }
0x77: {  	_ =	swait.ge [sflag:s28], $0x2000  }
0x78: {  	[sflag:s28] =	ssyncset.done $0x0  }
0x79: {  	s30 =	simm.s32 $0x4F00;
	[sflag:s28] =	ssyncadd.s32 $0xFFFFE000  }
0x7a: {  	[spmem:s3] =	stream.indirect.scatter.add.f32 [tilespmem:s19], [sflag:$0x3], $0x40, s30, s24, $0xb8;
	[tilespmem:$0x1CC40] =	vst v63  }
0x7b: {  	_ =	swait.ge [sflag:s31], $0x2000  }
0x7c: {  	[sflag:s31] =	ssyncset.done $0x0  }
0x7d: {  	s7 =	simm.s32 $0x4F80;
	[sflag:s31] =	ssyncadd.s32 $0xFFFFE000  }
0x7e: {  	[spmem:s3] =	stream.indirect.scatter.add.f32 [tilespmem:s26], [sflag:$0x4], $0x40, s7, s24, $0xb8;
	[tilespmem:$0x1CC40] =	vst v63  }
0x7f: {  	_ =	swait.ge [sflag:s29], $0x2000  }
0x80: {  	[sflag:s29] =	ssyncset.done $0x0  }
0x81: {  	[sflag:s29] =	ssyncadd.s32 $0xFFFFE000  }
0x82: {  	_ =	swait.ge [sflag:s0], $0x2000  }
0x83: {  	s1 =	sadd.s32 $0x1, s1;
	[sflag:s0] =	ssyncset.done $0x0  }
0x84: {  	p0 =	sne.s32 s1, s12;
	[sflag:s0] =	ssyncadd.s32 $0xFFFFE000  }
.Ltmp2:
0x85: {  	s30 =	sor.u32 $0x1C08, s5;
	[bflag:$0x0] =	sbarrier.arrive $0xFFFF;
	(pc) =	sbr.rel @p0 .LBB2_1-.Ltmp2, $4  }
0x86: {  	[hbm:s11], [sflag:s30] =	dma.local [spmem:s25], $0x1400  }
0x87: {  	_ =	swait.ge [sflag:s20], $0x1400  }
0x88: {  	[sflag:s20] =	ssyncset.done $0x0  }
0x89: {  	[sflag:s20] =	ssyncadd.s32 $0xFFFFEC00  }
0x8a: {  	_ =	sfence.sel $0x180000  }
0x8b: {  	[bflag:$0x0] =	sbarrier.arrive $0xFFFF  }
0x8c: {  	_ =	strace $0x9000004A  }
0x8d: {  	s0 =	stileid.u32;
	[bflag:$0x2] =	sbarrier.arrive $0xFFFF  }
0x8e: {  	p0 =	sne.s32 s0, $0x0;
	s0 =	rddreg [dreg:$0x4]  }
0x8f: {  	s0 =	sadd.s32 @!p0 $0x100000, s0  }
0x90: {  	[sflag:s0] =	ssyncadd.tile.s32 @!p0 $0x1;
	_ =	shalt  }
.Lfunc_end2:
_tile_overlayer_lowered:
.L_overlay_start_2:
0x91: {  	(tag) =	ssettag $0x2  }
0x92: {  	s0 =	rddreg [dreg:$0x0];
	s2 =	stileid.u32  }
0x93: {  	s1 =	rddreg [dreg:$0x1];
	p0 =	sne.s32 s2, $0x0  }
0x94: {  	s3 =	rddreg [dreg:$0x2];
	[bflag:$0x3] =	sbarrier.arrive $0xFFFF;
	s2 =	simm.s32 @!p0 $0x1C08  }
0x95: {  	[timem:s3], [sflag:s2] =	dma.local @!p0 [hbm:s0], s1  }
0x96: {  	s0 =	simm.s32 @!p0 $0x8  }
0x97: {  	_ =	swait.ge @!p0 [sflag:s0], s1  }
0x98: {  	s1 =	ssub.s32 @!p0 $0x0, s1;
	[sflag:s0] =	ssyncset.done @!p0 $0x0  }
0x99: {  	[sflag:s0] =	ssyncadd.s32 @!p0 s1  }
0x9a: {  	[bflag:$0x3] =	sbarrier.arrive $0xFFFF  }
0x9b: {  	_ =	shalt  }

// kernel: kernel.14.cloned.1.call-start
scs
__scs_entry_jumppad:
0x0: {  	(pc) =	sbr.rel $0x88, $3  }
0x1: {  	(tag) =	ssettag $0x0;
	lr =	simm.s32 $0x1  }
0x2: {  	[smem:$0x3F9B] =	sst lr;
	_ =	strace $0xD0000000  }
0x3: {  	_ = 	snop  }
0x4: {  	_ = 	snop  }
0x5: {  	_ = 	snop  }
0x6: {  	_ = 	snop  }
0x7: {  	_ = 	snop  }
__scs_overlays_trampoline_lowered:
0x8: {  	[smem:$0x3FAA] =	sst s0  }
0x9: {  	[smem:$0x3FAB] =	sst s1  }
0xa: {  	[smem:$0x3FAC] =	sst s2  }
0xb: {  	[smem:$0x3FAD] =	sst s3  }
0xc: {  	[smem:$0x3FAE] =	sst s4  }
0xd: {  	[smem:$0x3FAF] =	sst s5  }
0xe: {  	[smem:$0x3FB0] =	sst s6  }
0xf: {  	[smem:$0x3FB1] =	sst s7  }
0x10: {  	[smem:$0x3FB2] =	sst s8  }
0x11: {  	[smem:$0x3FB3] =	sst s9;
	s0 =	simm.s32 @!p0 $0x0  }
0x12: {  	s1 =	sld [smem:$0x3F99];
	s0 =	simm.s32 @p0 $0x1  }
0x13: {  	[smem:$0x3FB4] =	sst s0;
	s0 =	simm.s32 @!p1 $0x0  }
0x14: {  	s2 =	sld [smem:$0x3F98];
	s0 =	simm.s32 @p1 $0x1  }
0x15: {  	[smem:$0x3FB5] =	sst s0;
	s0 =	simm.s32 @!p2 $0x0  }
0x16: {  	s3 =	sld [smem:$0x3FDB];
	s0 =	simm.s32 @p2 $0x1  }
0x17: {  	s4 =	simm.s32 $0x1BF5;
	[smem:$0x3FB7] =	sst s0  }
0x18: {  	s0 =	sld [smem:$0x3F9A];
	_ =	swait.ge [sflag:s4], $0x0  }
0x19: {  	s7 =	sld [smem:$0x3F9B]  }
0x1a: {  	s8 =	sadd.s32 $0xFFFFE003, lr  }
0x1b: {  	s9 =	sadd.s32 $0xFFFFFEF7, lr;
	s5 =	simm.s32 $0xFFFFFFFF;
	p2 =	slt.u32 s8, $0xFFFFF086  }
0x1c: {  	p1 =	slt.u32 s9, $0xF7A;
	s5 =	simm.s32 @!p2 $0x0  }
0x1d: {  	s5 =	simm.s32 @p1 $0x1;
	p0 =	seq.s32 s7, s2  }
0x1e: {  	s7 =	smul.u32 @!p0 $0xF7A, s2;
	p2 =	seq.s32 @!p0 s5, $0x0  }
0x1f: {  	s9 =	smul.u32 $0xF7A, s1;
	s8 =	simm.s32 @!p0 $0x1BF5;
	p2 =	por !p2, p0  }
0x20: {  	[sflag:s8] =	ssyncset.s32 @!p0 $0xFFFFF086;
	s6 =	sadd.s32 @!p0 s3, s7;
	s7 =	simm.s32 @!p0 $0x108  }
0x21: {  	s3 =	sadd.s32 s3, s9;
	s6 =	sadd.s32 @!p0 $0x88, s6;
	s7 =	simm.s32 @p2 $0x1082  }
0x22: {  	[simem:s7], [sflag:s8] =	dma.local @!p0 [hbm:s6], $0xF7A  }
0x23: {  	s9 =	sor.u32 $0xD0000000, s2;
	s6 =	simm.s32 $0x108;
	_ =	swait.ge @!p0 [sflag:s8], $0x0  }
0x24: {  	s3 =	sadd.s32 $0x88, s3;
	s6 =	simm.s32 @!p1 $0x1082;
	[sflag:s4] =	ssyncset.s32 $0xFFFFF086  }
0x25: {  	[simem:s6], [sflag:s4] =	dma.local [hbm:s3], $0xF7A  }
0x26: {  	[smem:$0x3F9B] =	sst s1;
	(tag) =	ssettag s2;
	_ =	strace s9  }
0x27: {  	s1 =	sld [smem:$0x3FAB]  }
0x28: {  	s2 =	sld [smem:$0x3FAC]  }
0x29: {  	s4 =	sld [smem:$0x3FAE]  }
0x2a: {  	p0 =	seq.s32 s5, $0x0;
	s5 =	sld [smem:$0x3FAF]  }
0x2b: {  	s6 =	sld [smem:$0x3FB0]  }
0x2c: {  	s7 =	sld [smem:$0x3FB1]  }
0x2d: {  	s3 =	simm.s32 $0x108;
	s8 =	sld [smem:$0x3FB2]  }
0x2e: {  	s3 =	simm.s32 @!p0 $0x1082;
	s9 =	sld [smem:$0x3FB3]  }
0x2f: {  	lr =	sadd.s32 s0, s3;
	s0 =	sld [smem:$0x3FAA]  }
0x30: {  	s3 =	sld [smem:$0x3FAD]  }
0x31: {  	[smem:$0x3FB6] =	sst s10  }
0x32: {  	s10 =	sld [smem:$0x3FB4];
	_ =	sdelay $0x3  }
0x33: {  	p0 =	seq.s32 s10, $0x1;
	s10 =	sld [smem:$0x3FB6];
	_ =	sdelay $0x3  }
0x34: {  	[smem:$0x3FB6] =	sst s10  }
0x35: {  	s10 =	sld [smem:$0x3FB5];
	_ =	sdelay $0x3  }
0x36: {  	p1 =	seq.s32 s10, $0x1;
	s10 =	sld [smem:$0x3FB6];
	_ =	sdelay $0x3  }
0x37: {  	[smem:$0x3FB6] =	sst s10  }
0x38: {  	s10 =	sld [smem:$0x3FB7]  }
0x39: {  	_ = 	snop;
	(pc) =	sbr.ind lr, $3  }
0x3a: {  	_ = 	snop  }
0x3b: {  	_ = 	snop  }
0x3c: {  	p2 =	seq.s32 s10, $0x1;
	s10 =	sld [smem:$0x3FB6]  }
0x3d: {  	_ =	shalt  }
0x3e: {  	_ =	shalt  }
0x3f: {  	_ =	shalt  }
0x40: {  	_ =	shalt  }
0x41: {  	_ =	shalt  }
0x42: {  	_ =	shalt  }
0x43: {  	_ =	shalt  }
0x44: {  	_ =	shalt  }
0x45: {  	_ =	shalt  }
0x46: {  	_ =	shalt  }
0x47: {  	_ =	shalt  }
0x48: {  	_ =	shalt  }
0x49: {  	_ =	shalt  }
0x4a: {  	_ =	shalt  }
0x4b: {  	_ =	shalt  }
0x4c: {  	_ =	shalt  }
0x4d: {  	_ =	shalt  }
0x4e: {  	_ =	shalt  }
0x4f: {  	_ =	shalt  }
0x50: {  	_ =	shalt  }
0x51: {  	_ =	shalt  }
0x52: {  	_ =	shalt  }
0x53: {  	_ =	shalt  }
0x54: {  	_ =	shalt  }
0x55: {  	_ =	shalt  }
0x56: {  	_ =	shalt  }
0x57: {  	_ =	shalt  }
0x58: {  	_ =	shalt  }
0x59: {  	_ =	shalt  }
0x5a: {  	_ =	shalt  }
0x5b: {  	_ =	shalt  }
0x5c: {  	_ =	shalt  }
0x5d: {  	_ =	shalt  }
0x5e: {  	_ =	shalt  }
0x5f: {  	_ =	shalt  }
0x60: {  	_ =	shalt  }
0x61: {  	_ =	shalt  }
0x62: {  	_ =	shalt  }
0x63: {  	_ =	shalt  }
0x64: {  	_ =	shalt  }
0x65: {  	_ =	shalt  }
0x66: {  	_ =	shalt  }
0x67: {  	_ =	shalt  }
0x68: {  	_ =	shalt  }
0x69: {  	_ =	shalt  }
0x6a: {  	_ =	shalt  }
0x6b: {  	_ =	shalt  }
0x6c: {  	_ =	shalt  }
0x6d: {  	_ =	shalt  }
0x6e: {  	_ =	shalt  }
0x6f: {  	_ =	shalt  }
0x70: {  	_ =	shalt  }
0x71: {  	_ =	shalt  }
0x72: {  	_ =	shalt  }
0x73: {  	_ =	shalt  }
0x74: {  	_ =	shalt  }
0x75: {  	_ =	shalt  }
0x76: {  	_ =	shalt  }
0x77: {  	_ =	shalt  }
0x78: {  	_ =	shalt  }
0x79: {  	_ =	shalt  }
0x7a: {  	_ =	shalt  }
0x7b: {  	_ =	shalt  }
0x7c: {  	_ =	shalt  }
0x7d: {  	_ =	shalt  }
0x7e: {  	_ =	shalt  }
0x7f: {  	_ =	shalt  }
0x80: {  	_ =	shalt  }
0x81: {  	_ =	shalt  }
0x82: {  	_ =	shalt  }
0x83: {  	_ =	shalt  }
0x84: {  	_ =	shalt  }
0x85: {  	_ =	shalt  }
0x86: {  	_ =	shalt  }
0x87: {  	_ =	shalt  }
.Lfunc_end0:
.L_simem_size_0:
called_computation.2_lowered:
.L_overlay_start_0:
0x88: {  	s2 =	sld [smem:$0x3FD9]  }
0x89: {  	s3 =	sld [smem:$0x3FFE];
	_ =	sdelay $0x1  }
0x8a: {  	s1 =	srdreg.scid  }
0x8b: {  	s0 =	sand.u32 $0x1, s1  }
0x8c: {  	s17 =	sshll.u32 s0, $0xA;
	s2 =	sadd.s32 s3, s2  }
0x8d: {  	s2 =	sadd.s32 s2, s17  }
0x8e: {  	[smem:$0x3FC2] =	sst s2  }
0x8f: {  	_ = 	snop  }
0x90: {  	s2 =	sld [smem:$0x3FD0];
	(tm) =	ssettm $0x1  }
0x91: {  	s18 =	sld [smem:$0x3FFB];
	_ =	sdelay $0x3  }
0x92: {  	_ =	strace s18  }
0x93: {  	s3 =	sld [smem:$0x3FFC];
	_ =	sdelay $0x3  }
0x94: {  	_ =	strace s3  }
0x95: {  	s3 =	sld [smem:$0x3FFD];
	_ =	sdelay $0x3  }
0x96: {  	_ =	strace s3  }
0x97: {  	_ =	strace $0x8FFFFFFF  }
0x98: {  	s19 =	sld [smem:$0x3FDB];
	_ =	sdelay $0x1  }
0x99: {  	s4 =	simm.s32 $_scs_section_size  }
0x9a: {  	s5 =	simm.s32 $_size__tile_overlayer_lowered;
	s6 =	simm.s32 $_tile_overlayer_lowered  }
0x9b: {  	s22 =	simm.s32 $0x1BFF;
	s21 =	sshll.u32 s6, $0x1;
	s3 =	sadd.s32 s4, s19  }
0x9c: {  	s7 =	simm.s32 $0x0;
	s20 =	sshll.u32 s5, $0x1;
	s5 =	sadd.s32 s21, s3  }
0x9d: {  	[timem:s7], [sflag:s22] =	dma.local [hbm:s5], s20  }
0x9e: {  	_ =	swait.ge [sflag:s22], s20  }
0x9f: {  	s4 =	ssub.s32 $0x0, s20;
	[sflag:s22] =	ssyncset.done $0x0  }
0xa0: {  	[sflag:s22] =	ssyncadd.s32 s4;
	_ =	sdelay $0x1  }
0xa1: {  	s23 =	simm.s32 $0x1B8B  }
0xa2: {  	_ =	swait.ge [sflag:s23], $0x1  }
0xa3: {  	[sflag:s23] =	ssyncset.done $0x0  }
0xa4: {  	s25 =	simm.s32 $0x1B8E;
	s24 =	sld [smem:$0x3FFE];
	[sflag:s23] =	ssyncadd.s32 $0xFFFFFFFF  }
0xa5: {  	s26 =	simm.s32 $execute0_lowered;
	[smem:$0x3FD2] =	sst s25  }
0xa6: {  	s5 =	sshll.u32 s26, $0x1;
	_ =	strace $0x8000004C;
	[dreg:$0x1] =	wrdreg $0xFFFFFFFF  }
0xa7: {  	s28 =	simm.s32 $_size_execute0_lowered;
	s3 =	sadd.s32 s3, s5;
	[dreg:$0x0] =	wrdreg $0x0  }
0xa8: {  	s5 =	sshll.u32 s28, $0x1;
	[dreg:$0x2] =	wrdreg s3  }
0xa9: {  	[dreg:$0x3] =	wrdreg s5  }
0xaa: {  	[dreg:$0x4] =	wrdreg $0xC0  }
0xab: {  	_ =	task [dreg:s7], $0x5FFFF  }
0xac: {  	[dreg:$0x1] =	wrdreg $0xFFFFFFFF  }
0xad: {  	[dreg:$0x0] =	wrdreg $0x60  }
0xae: {  	[dreg:$0x2] =	wrdreg s24  }
0xaf: {  	[dreg:$0x3] =	wrdreg s2  }
0xb0: {  	[dreg:$0x4] =	wrdreg $0x128000  }
0xb1: {  	[dreg:$0x5] =	wrdreg $0xB0000  }
0xb2: {  	[dreg:$0x6] =	wrdreg $0x9  }
0xb3: {  	_ =	task.clear_ibuf [dreg:s7], $0x7FFFF;
	_ =	strace $0x9000004C  }
0xb4: {  	s29 =	simm.s32 $0x9;
	_ =	strace $0x8000004E  }
0xb5: {  	_ =	swait.ge [sflag:s29], $0x1  }
0xb6: {  	[sflag:s29] =	ssyncadd.s32 $0xFFFFFFFF  }
0xb7: {  	_ =	strace $0x9000004E  }
0xb8: {  	_ =	sfence  }
0xb9: {  	s30 =	sld [smem:$0x0];
	_ =	sdelay $0x2  }
0xba: {  	s31 =	sshll.u32 s1, $0xD;
	s1 =	sshrl.u32 s1, $0x2  }
0xbb: {  	s3 =	sand.u32 $0x4000, s31;
	s1 =	sadd.s32 s1, s30  }
0xbc: {  	s0 =	sor.u32 s3, s0;
	s1 =	sshll.u32 s1, $0x11  }
0xbd: {  	s0 =	sor.u32 s1, s0  }
0xbe: {  	s0 =	sadd.s32 $0x8F2B, s0  }
0xbf: {  	[sflag:s0] =	ssyncadd.remote.s32 $0x1  }
0xc0: {  	_ =	sfence.sel $0xFFFF  }
0xc1: {  	[dreg:$0x0] =	wrdreg $0xFFFFFFFF;
	(pc) =	sbr.abs _section_cstart, $3  }
0xc2: {  	[dreg:$0x1] =	wrdreg $0xFFFFFFFF  }
0xc3: {  	_ =	task.clear_ibuf [dreg:s7], $0x2FFFF;
	_ =	strace $0x9FFFFFFF  }
0xc4: {  	(tm) =	ssettm $0x7FFFFFFF  }
0xc5: {  	_ =	shalt  }
tec
execute0_lowered:
.L_overlay_start_1:
0x0: {  	(tag) =	ssettag $0x1  }
0x1: {  	s0 =	rddreg [dreg:$0x0]  }
0x2: {  	s1 =	rddreg [dreg:$0x1]  }
0x3: {  	s2 =	rddreg [dreg:$0x2];
	s11 =	stileid.u32  }
0x4: {  	s4 =	srdreg.scid;
	s3 =	rddreg [dreg:$0x3]  }
0x5: {  	s7 =	simm.s32 $0x0;
	s18 =	simm.s32 $0x2800;
	s29 =	simm.s32 $0x8000  }
0x6: {  	s30 =	simm.s32 $0x1;
	s31 =	simm.s32 $0x5;
	s5 =	smul.u32 $0x7530, s11  }
0x7: {  	s28 =	simm.s32 $0x3;
	s4 =	sand.u32 $0x1, s4;
	s8 =	smul.u32 $0x7800, s11  }
0x8: {  	[smem:$0x7FF] =	sst s7;
	s12 =	sshll.u32 s11, $0x6;
	s21 =	smul.u32 $0x1E000, s11  }
0x9: {  	s6 =	smul.u32 $0x78000, s4;
	s19 =	sshll.u32 s4, $0x4;
	_ =	strace $0x8000004D  }
0xa: {  	s4 =	ssub.s32 $0x2, s4;
	[dreg:$0x5] =	wrdreg s12;
	s22 =	sor.u32 $0x1C0B, s12  }
0xb: {  	s7 =	sor.u32 s11, s19;
	s9 =	sshrl.u32 s5, $0x3;
	s20 =	sshrl.u32 s4, $0x1  }
0xc: {  	s5 =	sadd.s32 s5, s2;
	[dreg:$0x7] =	wrdreg s22;
	s24 =	sshrl.u32 s21, $0x2  }
0xd: {  	s25 =	sadd.s32 s8, s3;
	s19 =	simm.s32 $0x5000;
	s21 =	simm.s32 $0xB  }
0xe: {  	s22 =	simm.s32 $0x9;
	s7 =	smul.u32 $0x500, s7;
	s6 =	sadd.s32 s8, s6  }
0xf: {  	s9 =	sadd.s32 s9, s0;
	s4 =	ssub.s32 s4, s20;
	s11 =	sadd.s32 s24, s3  }
0x10: {  	s17 =	sshrl.u32 s5, $0x3;
	s20 =	simm.s32 $0xC;
	s24 =	simm.s32 $0x80  }
0x11: {  	s25 =	sshrl.u32 s25, $0x3;
	s8 =	simm.s32 $0x8;
	s6 =	sshrl.u32 s6, $0x3  }
0x12: {  	s9 =	sadd.s32 $0x65A00, s9;
	s26 =	smax.u32 s4, $0x1;
	s13 =	sadd.s32 $0x1800, s11  }
0x13: {  	s14 =	sadd.s32 $0x3000, s11;
	s15 =	sadd.s32 $0x4800, s11;
	s16 =	sadd.s32 $0x6000, s11  }
0x14: {  	s4 =	simm.s32 $0x6;
	s10 =	sadd.s32 s7, s0;
	[dreg:$0x6] =	wrdreg s9  }
0x15: {  	s0 =	sadd.s32 s6, s0;
	s1 =	sadd.s32 s1, s7;
	[dreg:$0xb] =	wrdreg s26  }
0x16: {  	s26 =	simm.s32 $0x6800;
	s6 =	simm.s32 $0x4;
	s7 =	simm.s32 $0x7  }
0x17: {  	s9 =	simm.s32 $0x0;
	s23 =	sadd.s32 $0xBA00, s10;
	[dreg:$0x9] =	wrdreg s1  }
0x18: {  	s0 =	sadd.s32 $0x74600, s0;
	s1 =	simm.s32 $0x9800;
	[dreg:$0x8] =	wrdreg s23  }
0x19: {  	v0 =	vimm.f32 $0.0e+00;
	[dreg:$0xa] =	wrdreg s0;
	s23 =	simm.s32 $0xA;
	s0 =	simm.s32 $0x2  }
.LBB2_1:
0x1a: {  	s5 =	rddreg [dreg:$0x6]  }
0x1b: {  	s10 =	rddreg [dreg:$0x7]  }
0x1c: {  	[spmem:s17], [sflag:s10] =	dma.local [hbm:s5], $0xEA6  }
0x1d: {  	s5 =	simm.s32 $0x0;
	s10 =	rddreg [dreg:$0x8]  }
0x1e: {  	[tilespmem:s5], [sflag:$0x9] =	stream.linear.gather [hbm4b:s10+s5], $0x2800, $0x38;
	[tilespmem:$0x19D30] =	vst v63  }
0x1f: {  	s12 =	rddreg [dreg:$0x9]  }
0x20: {  	[tilespmem:s18], [sflag:$0xA] =	stream.linear.gather [hbm4b:s12+s5], $0x2800, $0x38;
	[tilespmem:$0x19D30] =	vst v63  }
0x21: {  	s10 =	simm.s32 $0x0;
	s5 =	simm.s32 $0xC0  }
.LBB2_2:
0x22: {  	p0 =	sne.s32 s5, $0x5F40;
	[tilespmem:s10+$0x5020] =	vst v0;
	s12 =	smov.u32 s5;
	s5 =	sadd.s32 $0xC0, s5  }
.Ltmp0:
0x23: {  	[tilespmem:s10+$0x5000] =	vst v0;
	(pc) =	sbr.rel @p0 .LBB2_2-.Ltmp0, $2  }
0x24: {  	[tilespmem:s10+$0x5010] =	vst v0;
	_ =	sdelay $0x2  }
0x25: {  	s10 =	sshra.s32 s12, $0x2  }
0x26: {  	[tilespmem:s10+$0x5020] =	vst v0  }
0x27: {  	[tilespmem:s10+$0x5000] =	vst v0  }
0x28: {  	[tilespmem:s10+$0x5010] =	vst v0  }
0x29: {  	[spmem:s11] =	stream.linear.scatter [tilespmem:s19], [sflag:$0xC], $0x1800, $0x38;
	[tilespmem:$0x19D30] =	vst v63  }
0x2a: {  	_ =	swait.ge [sflag:s20], $0x1800  }
0x2b: {  	[sflag:s20] =	ssyncset.done $0x0  }
0x2c: {  	[sflag:s20] =	ssyncadd.s32 $0xFFFFE800  }
0x2d: {  	[spmem:s13] =	stream.linear.scatter [tilespmem:s19], [sflag:$0xC], $0x1800, $0x38;
	[tilespmem:$0x19D30] =	vst v63  }
0x2e: {  	_ =	swait.ge [sflag:s20], $0x1800  }
0x2f: {  	[sflag:s20] =	ssyncset.done $0x0  }
0x30: {  	[sflag:s20] =	ssyncadd.s32 $0xFFFFE800  }
0x31: {  	[spmem:s14] =	stream.linear.scatter [tilespmem:s19], [sflag:$0xC], $0x1800, $0x38;
	[tilespmem:$0x19D30] =	vst v63  }
0x32: {  	_ =	swait.ge [sflag:s20], $0x1800  }
0x33: {  	[sflag:s20] =	ssyncset.done $0x0  }
0x34: {  	[sflag:s20] =	ssyncadd.s32 $0xFFFFE800  }
0x35: {  	[spmem:s15] =	stream.linear.scatter [tilespmem:s19], [sflag:$0xC], $0x1800, $0x38;
	[tilespmem:$0x19D30] =	vst v63  }
0x36: {  	_ =	swait.ge [sflag:s20], $0x1800  }
0x37: {  	[sflag:s20] =	ssyncset.done $0x0  }
0x38: {  	[sflag:s20] =	ssyncadd.s32 $0xFFFFE800  }
0x39: {  	[spmem:s16] =	stream.linear.scatter [tilespmem:s19], [sflag:$0xC], $0x1800, $0x38;
	[tilespmem:$0x19D30] =	vst v63  }
0x3a: {  	_ =	swait.ge [sflag:s20], $0x1800  }
0x3b: {  	[sflag:s20] =	ssyncset.done $0x0  }
0x3c: {  	[sflag:s20] =	ssyncadd.s32 $0xFFFFE800  }
0x3d: {  	_ =	swait.ge [sflag:s21], $0xEA6  }
0x3e: {  	[sflag:s21] =	ssyncset.done $0x0  }
0x3f: {  	[sflag:s21] =	ssyncadd.s32 $0xFFFFF15A  }
0x40: {  	_ =	swait.ge [sflag:s22], $0x2800  }
0x41: {  	[sflag:s22] =	ssyncset.done $0x0  }
0x42: {  	[sflag:s22] =	ssyncadd.s32 $0xFFFFD800  }
0x43: {  	_ =	swait.ge [sflag:s23], $0x2800  }
0x44: {  	[sflag:s23] =	ssyncset.done $0x0  }
0x45: {  	[sflag:s23] =	ssyncadd.s32 $0xFFFFD800  }
0x46: {  	s5 =	simm.s32 $0x0;
	[bflag:$0x0] =	sbarrier.arrive $0xFFFF  }
0x47: {  	[tilespmem:s19], [sflag:$0x1] =	stream.indirect.gather [spmem:s2], $0x30, s5, s24, $0xb8;
	[tilespmem:$0x19D30] =	vst v63  }
0x48: {  	_ = 	snop  }
0x49: {  	[tilespmem:s26], [sflag:$0x2] =	stream.indirect.gather [spmem:s2], $0x30, s24, s24, $0xb8;
	[tilespmem:$0x19D30] =	vst v63  }
0x4a: {  	s10 =	simm.s32 $0x100  }
0x4b: {  	[tilespmem:s29], [sflag:$0x3] =	stream.indirect.gather [spmem:s2], $0x30, s10, s24, $0xb8;
	[tilespmem:$0x19D30] =	vst v63  }
0x4c: {  	_ =	swait.ge [sflag:s30], $0x1800  }
0x4d: {  	[sflag:s30] =	ssyncset.done $0x0  }
0x4e: {  	[sflag:s30] =	ssyncadd.s32 $0xFFFFE800  }
0x4f: {  	[spmem:s3] =	stream.indirect.scatter.add.f32 [tilespmem:s19], [sflag:$0x5], $0x30, s18, s24, $0xb8;
	[tilespmem:$0x19D30] =	vst v63  }
0x50: {  	s12 =	simm.s32 $0x180  }
0x51: {  	[tilespmem:s1], [sflag:$0x4] =	stream.indirect.gather [spmem:s2], $0x30, s12, s24, $0xb8;
	[tilespmem:$0x19D30] =	vst v63  }
0x52: {  	_ =	swait.ge [sflag:s0], $0x1800  }
0x53: {  	[sflag:s0] =	ssyncset.done $0x0  }
0x54: {  	s10 =	simm.s32 $0x2880;
	[sflag:s0] =	ssyncadd.s32 $0xFFFFE800  }
0x55: {  	[spmem:s3] =	stream.indirect.scatter.add.f32 [tilespmem:s26], [sflag:$0x6], $0x30, s10, s24, $0xb8;
	[tilespmem:$0x19D30] =	vst v63  }
0x56: {  	_ =	swait.ge [sflag:s31], $0x1800  }
0x57: {  	[sflag:s31] =	ssyncset.done $0x0  }
0x58: {  	s12 =	simm.s32 $0x200;
	[sflag:s31] =	ssyncadd.s32 $0xFFFFE800  }
0x59: {  	[tilespmem:s19], [sflag:$0x1] =	stream.indirect.gather [spmem:s2], $0x30, s12, s24, $0xb8;
	[tilespmem:$0x19D30] =	vst v63  }
0x5a: {  	_ =	swait.ge [sflag:s28], $0x1800  }
0x5b: {  	[sflag:s28] =	ssyncset.done $0x0  }
0x5c: {  	s10 =	simm.s32 $0x2900;
	[sflag:s28] =	ssyncadd.s32 $0xFFFFE800  }
0x5d: {  	[spmem:s3] =	stream.indirect.scatter.add.f32 [tilespmem:s29], [sflag:$0x7], $0x30, s10, s24, $0xb8;
	[tilespmem:$0x19D30] =	vst v63  }
0x5e: {  	_ =	swait.ge [sflag:s4], $0x1800  }
0x5f: {  	[sflag:s4] =	ssyncset.done $0x0  }
0x60: {  	s12 =	simm.s32 $0x280;
	[sflag:s4] =	ssyncadd.s32 $0xFFFFE800  }
0x61: {  	[tilespmem:s26], [sflag:$0x2] =	stream.indirect.gather [spmem:s2], $0x30, s12, s24, $0xb8;
	[tilespmem:$0x19D30] =	vst v63  }
0x62: {  	_ =	swait.ge [sflag:s6], $0x1800  }
0x63: {  	[sflag:s6] =	ssyncset.done $0x0  }
0x64: {  	s10 =	simm.s32 $0x2980;
	[sflag:s6] =	ssyncadd.s32 $0xFFFFE800  }
0x65: {  	[spmem:s3] =	stream.indirect.scatter.add.f32 [tilespmem:s1], [sflag:$0x8], $0x30, s10, s24, $0xb8;
	[tilespmem:$0x19D30] =	vst v63  }
0x66: {  	_ =	swait.ge [sflag:s7], $0x1800  }
0x67: {  	[sflag:s7] =	ssyncset.done $0x0  }
0x68: {  	s12 =	simm.s32 $0x300;
	[sflag:s7] =	ssyncadd.s32 $0xFFFFE800  }
0x69: {  	[tilespmem:s29], [sflag:$0x3] =	stream.indirect.gather [spmem:s2], $0x30, s12, s24, $0xb8;
	[tilespmem:$0x19D30] =	vst v63  }
0x6a: {  	_ =	swait.ge [sflag:s30], $0x1800  }
0x6b: {  	[sflag:s30] =	ssyncset.done $0x0  }
0x6c: {  	s10 =	simm.s32 $0x2A00;
	[sflag:s30] =	ssyncadd.s32 $0xFFFFE800  }
0x6d: {  	[spmem:s3] =	stream.indirect.scatter.add.f32 [tilespmem:s19], [sflag:$0x5], $0x30, s10, s24, $0xb8;
	[tilespmem:$0x19D30] =	vst v63  }
0x6e: {  	_ =	swait.ge [sflag:s8], $0x1800  }
0x6f: {  	[sflag:s8] =	ssyncset.done $0x0  }
0x70: {  	s12 =	simm.s32 $0x380;
	[sflag:s8] =	ssyncadd.s32 $0xFFFFE800  }
0x71: {  	[tilespmem:s1], [sflag:$0x4] =	stream.indirect.gather [spmem:s2], $0x30, s12, s24, $0xb8;
	[tilespmem:$0x19D30] =	vst v63  }
0x72: {  	_ =	swait.ge [sflag:s0], $0x1800  }
0x73: {  	[sflag:s0] =	ssyncset.done $0x0  }
0x74: {  	s10 =	simm.s32 $0x2A80;
	[sflag:s0] =	ssyncadd.s32 $0xFFFFE800  }
0x75: {  	[spmem:s3] =	stream.indirect.scatter.add.f32 [tilespmem:s26], [sflag:$0x6], $0x30, s10, s24, $0xb8;
	[tilespmem:$0x19D30] =	vst v63  }
0x76: {  	_ =	swait.ge [sflag:s31], $0x1800  }
0x77: {  	[sflag:s31] =	ssyncset.done $0x0  }
0x78: {  	s12 =	simm.s32 $0x400;
	[sflag:s31] =	ssyncadd.s32 $0xFFFFE800  }
0x79: {  	[tilespmem:s19], [sflag:$0x1] =	stream.indirect.gather [spmem:s2], $0x30, s12, s24, $0xb8;
	[tilespmem:$0x19D30] =	vst v63  }
0x7a: {  	_ =	swait.ge [sflag:s28], $0x1800  }
0x7b: {  	[sflag:s28] =	ssyncset.done $0x0  }
0x7c: {  	s10 =	simm.s32 $0x2B00;
	[sflag:s28] =	ssyncadd.s32 $0xFFFFE800  }
0x7d: {  	[spmem:s3] =	stream.indirect.scatter.add.f32 [tilespmem:s29], [sflag:$0x7], $0x30, s10, s24, $0xb8;
	[tilespmem:$0x19D30] =	vst v63  }
0x7e: {  	_ =	swait.ge [sflag:s4], $0x1800  }
0x7f: {  	[sflag:s4] =	ssyncset.done $0x0  }
0x80: {  	s12 =	simm.s32 $0x480;
	[sflag:s4] =	ssyncadd.s32 $0xFFFFE800  }
0x81: {  	[tilespmem:s26], [sflag:$0x2] =	stream.indirect.gather [spmem:s2], $0x30, s12, s24, $0xb8;
	[tilespmem:$0x19D30] =	vst v63  }
0x82: {  	_ =	swait.ge [sflag:s6], $0x1800  }
0x83: {  	[sflag:s6] =	ssyncset.done $0x0  }
0x84: {  	s5 =	simm.s32 $0x2B80;
	s10 =	simm.s32 $0x800;
	[sflag:s6] =	ssyncadd.s32 $0xFFFFE800  }
.LBB2_4:
0x85: {  	[spmem:s3] =	stream.indirect.scatter.add.f32 [tilespmem:s1], [sflag:$0x8], $0x30, s5, s24, $0xb8;
	[tilespmem:$0x19D30] =	vst v63  }
0x86: {  	s5 =	smov.u32 s10  }
0x87: {  	p0 =	sne.s32 s10, $0x8800;
	s10 =	sadd.s32 $0x800, s10;
	_ =	swait.ge [sflag:s7], $0x1800  }
0x88: {  	s5 =	sshra.s32 s5, $0x2;
	[sflag:s7] =	ssyncset.done $0x0  }
0x89: {  	s12 =	sadd.s32 $0x300, s5;
	[sflag:s7] =	ssyncadd.s32 $0xFFFFE800  }
0x8a: {  	[tilespmem:s29], [sflag:$0x3] =	stream.indirect.gather [spmem:s2], $0x30, s12, s24, $0xb8;
	[tilespmem:$0x19D30] =	vst v63  }
0x8b: {  	_ =	swait.ge [sflag:s30], $0x1800  }
0x8c: {  	[sflag:s30] =	ssyncset.done $0x0  }
0x8d: {  	s12 =	sadd.s32 $0x2A00, s5;
	[sflag:s30] =	ssyncadd.s32 $0xFFFFE800  }
0x8e: {  	[spmem:s3] =	stream.indirect.scatter.add.f32 [tilespmem:s19], [sflag:$0x5], $0x30, s12, s24, $0xb8;
	[tilespmem:$0x19D30] =	vst v63  }
0x8f: {  	_ =	swait.ge [sflag:s8], $0x1800  }
0x90: {  	[sflag:s8] =	ssyncset.done $0x0  }
0x91: {  	s12 =	sadd.s32 $0x380, s5;
	[sflag:s8] =	ssyncadd.s32 $0xFFFFE800  }
0x92: {  	[tilespmem:s1], [sflag:$0x4] =	stream.indirect.gather [spmem:s2], $0x30, s12, s24, $0xb8;
	[tilespmem:$0x19D30] =	vst v63  }
0x93: {  	_ =	swait.ge [sflag:s0], $0x1800  }
0x94: {  	[sflag:s0] =	ssyncset.done $0x0  }
0x95: {  	s12 =	sadd.s32 $0x2A80, s5;
	[sflag:s0] =	ssyncadd.s32 $0xFFFFE800  }
0x96: {  	[spmem:s3] =	stream.indirect.scatter.add.f32 [tilespmem:s26], [sflag:$0x6], $0x30, s12, s24, $0xb8;
	[tilespmem:$0x19D30] =	vst v63  }
0x97: {  	_ =	swait.ge [sflag:s31], $0x1800  }
0x98: {  	[sflag:s31] =	ssyncset.done $0x0  }
0x99: {  	s12 =	sadd.s32 $0x400, s5;
	[sflag:s31] =	ssyncadd.s32 $0xFFFFE800  }
0x9a: {  	[tilespmem:s19], [sflag:$0x1] =	stream.indirect.gather [spmem:s2], $0x30, s12, s24, $0xb8;
	[tilespmem:$0x19D30] =	vst v63  }
0x9b: {  	_ =	swait.ge [sflag:s28], $0x1800  }
0x9c: {  	[sflag:s28] =	ssyncset.done $0x0  }
0x9d: {  	s12 =	sadd.s32 $0x2B00, s5;
	[sflag:s28] =	ssyncadd.s32 $0xFFFFE800  }
0x9e: {  	[spmem:s3] =	stream.indirect.scatter.add.f32 [tilespmem:s29], [sflag:$0x7], $0x30, s12, s24, $0xb8;
	[tilespmem:$0x19D30] =	vst v63  }
0x9f: {  	_ =	swait.ge [sflag:s4], $0x1800  }
0xa0: {  	[sflag:s4] =	ssyncset.done $0x0  }
.Ltmp1:
0xa1: {  	s12 =	sadd.s32 $0x480, s5;
	[sflag:s4] =	ssyncadd.s32 $0xFFFFE800;
	(pc) =	sbr.rel @p0 .LBB2_4-.Ltmp1, $4  }
0xa2: {  	[tilespmem:s26], [sflag:$0x2] =	stream.indirect.gather [spmem:s2], $0x30, s12, s24, $0xb8;
	[tilespmem:$0x19D30] =	vst v63  }
0xa3: {  	_ =	swait.ge [sflag:s6], $0x1800  }
0xa4: {  	[sflag:s6] =	ssyncset.done $0x0  }
0xa5: {  	s5 =	sadd.s32 $0x2B80, s5;
	[sflag:s6] =	ssyncadd.s32 $0xFFFFE800  }
0xa6: {  	[spmem:s3] =	stream.indirect.scatter.add.f32 [tilespmem:s1], [sflag:$0x8], $0x30, s5, s24, $0xb8;
	[tilespmem:$0x19D30] =	vst v63  }
0xa7: {  	_ =	swait.ge [sflag:s7], $0x1800  }
0xa8: {  	[sflag:s7] =	ssyncset.done $0x0  }
0xa9: {  	s10 =	simm.s32 $0x2700;
	[sflag:s7] =	ssyncadd.s32 $0xFFFFE800  }
0xaa: {  	[tilespmem:s29], [sflag:$0x3] =	stream.indirect.gather [spmem:s2], $0x30, s10, s24, $0xb8;
	[tilespmem:$0x19D30] =	vst v63  }
0xab: {  	_ =	swait.ge [sflag:s30], $0x1800  }
0xac: {  	[sflag:s30] =	ssyncset.done $0x0  }
0xad: {  	s12 =	simm.s32 $0x4E00;
	[sflag:s30] =	ssyncadd.s32 $0xFFFFE800  }
0xae: {  	[spmem:s3] =	stream.indirect.scatter.add.f32 [tilespmem:s19], [sflag:$0x5], $0x30, s12, s24, $0xb8;
	[tilespmem:$0x19D30] =	vst v63  }
0xaf: {  	_ =	swait.ge [sflag:s8], $0x1800  }
0xb0: {  	[sflag:s8] =	ssyncset.done $0x0  }
0xb1: {  	s10 =	simm.s32 $0x2780;
	[sflag:s8] =	ssyncadd.s32 $0xFFFFE800  }
0xb2: {  	[tilespmem:s1], [sflag:$0x4] =	stream.indirect.gather [spmem:s2], $0x30, s10, s24, $0xb8;
	[tilespmem:$0x19D30] =	vst v63  }
0xb3: {  	_ =	swait.ge [sflag:s0], $0x1800  }
0xb4: {  	[sflag:s0] =	ssyncset.done $0x0  }
0xb5: {  	s12 =	simm.s32 $0x4E80;
	[sflag:s0] =	ssyncadd.s32 $0xFFFFE800  }
0xb6: {  	[spmem:s3] =	stream.indirect.scatter.add.f32 [tilespmem:s26], [sflag:$0x6], $0x30, s12, s24, $0xb8;
	[tilespmem:$0x19D30] =	vst v63  }
0xb7: {  	_ =	swait.ge [sflag:s28], $0x1800  }
0xb8: {  	[sflag:s28] =	ssyncset.done $0x0  }
0xb9: {  	s10 =	simm.s32 $0x4F00;
	[sflag:s28] =	ssyncadd.s32 $0xFFFFE800  }
0xba: {  	[spmem:s3] =	stream.indirect.scatter.add.f32 [tilespmem:s29], [sflag:$0x7], $0x30, s10, s24, $0xb8;
	[tilespmem:$0x19D30] =	vst v63  }
0xbb: {  	_ =	swait.ge [sflag:s6], $0x1800  }
0xbc: {  	[sflag:s6] =	ssyncset.done $0x0  }
0xbd: {  	s12 =	simm.s32 $0x4F80;
	[sflag:s6] =	ssyncadd.s32 $0xFFFFE800  }
0xbe: {  	[spmem:s3] =	stream.indirect.scatter.add.f32 [tilespmem:s1], [sflag:$0x8], $0x30, s12, s24, $0xb8;
	[tilespmem:$0x19D30] =	vst v63  }
0xbf: {  	_ =	swait.ge [sflag:s31], $0x1800  }
0xc0: {  	[sflag:s31] =	ssyncset.done $0x0  }
0xc1: {  	[sflag:s31] =	ssyncadd.s32 $0xFFFFE800  }
0xc2: {  	_ =	swait.ge [sflag:s4], $0x1800  }
0xc3: {  	[sflag:s4] =	ssyncset.done $0x0  }
0xc4: {  	[sflag:s4] =	ssyncadd.s32 $0xFFFFE800  }
0xc5: {  	_ =	swait.ge [sflag:s7], $0x1800  }
0xc6: {  	[sflag:s7] =	ssyncset.done $0x0  }
0xc7: {  	[sflag:s7] =	ssyncadd.s32 $0xFFFFE800  }
0xc8: {  	_ =	swait.ge [sflag:s8], $0x1800  }
0xc9: {  	[sflag:s8] =	ssyncset.done $0x0  }
0xca: {  	[sflag:s8] =	ssyncadd.s32 $0xFFFFE800  }
0xcb: {  	[bflag:$0x0] =	sbarrier.arrive $0xFFFF  }
0xcc: {  	s10 =	rddreg [dreg:$0x5]  }
0xcd: {  	s5 =	sor.u32 $0x1C0C, s10;
	s10 =	rddreg [dreg:$0xa]  }
0xce: {  	[hbm:s10], [sflag:s5] =	dma.local [spmem:s25], $0xF00  }
0xcf: {  	_ =	swait.ge [sflag:s20], $0xF00  }
0xd0: {  	s9 =	sadd.s32 $0x1, s9;
	s12 =	rddreg [dreg:$0xb]  }
0xd1: {  	p0 =	sne.s32 s9, s12  }
.Ltmp2:
0xd2: {  	_ = 	snop;
	(pc) =	sbr.rel @p0 .LBB2_1-.Ltmp2, $3  }
0xd3: {  	_ =	sdelay $0x1  }
0xd4: {  	[sflag:s20] =	ssyncset.done $0x0  }
0xd5: {  	[sflag:s20] =	ssyncadd.s32 $0xFFFFF100  }
0xd6: {  	_ =	sfence.sel $0x180000  }
0xd7: {  	[bflag:$0x0] =	sbarrier.arrive $0xFFFF  }
0xd8: {  	_ =	strace $0x9000004D  }
0xd9: {  	s0 =	stileid.u32;
	[bflag:$0x2] =	sbarrier.arrive $0xFFFF  }
0xda: {  	p0 =	sne.s32 s0, $0x0;
	s0 =	rddreg [dreg:$0x4]  }
0xdb: {  	s0 =	sadd.s32 @!p0 $0x100000, s0  }
0xdc: {  	[sflag:s0] =	ssyncadd.tile.s32 @!p0 $0x1;
	_ =	shalt  }
.Lfunc_end2:
_tile_overlayer_lowered:
.L_overlay_start_2:
0xdd: {  	(tag) =	ssettag $0x2  }
0xde: {  	s0 =	rddreg [dreg:$0x0];
	s2 =	stileid.u32  }
0xdf: {  	s1 =	rddreg [dreg:$0x1];
	p0 =	sne.s32 s2, $0x0  }
0xe0: {  	s3 =	rddreg [dreg:$0x2];
	[bflag:$0x3] =	sbarrier.arrive $0xFFFF;
	s2 =	simm.s32 @!p0 $0x1C0C  }
0xe1: {  	[timem:s3], [sflag:s2] =	dma.local @!p0 [hbm:s0], s1  }
0xe2: {  	s0 =	simm.s32 @!p0 $0xC  }
0xe3: {  	_ =	swait.ge @!p0 [sflag:s0], s1  }
0xe4: {  	s1 =	ssub.s32 @!p0 $0x0, s1;
	[sflag:s0] =	ssyncset.done @!p0 $0x0  }
0xe5: {  	[sflag:s0] =	ssyncadd.s32 @!p0 s1  }
0xe6: {  	[bflag:$0x3] =	sbarrier.arrive $0xFFFF  }
0xe7: {  	_ =	shalt  }

// kernel: kernel.8.cloned.1.call-start
scs
__scs_entry_jumppad:
0x0: {  	(pc) =	sbr.rel $0x88, $3  }
0x1: {  	(tag) =	ssettag $0x0;
	lr =	simm.s32 $0x1  }
0x2: {  	[smem:$0x3F9B] =	sst lr;
	_ =	strace $0xD0000000  }
0x3: {  	_ = 	snop  }
0x4: {  	_ = 	snop  }
0x5: {  	_ = 	snop  }
0x6: {  	_ = 	snop  }
0x7: {  	_ = 	snop  }
__scs_overlays_trampoline_lowered:
0x8: {  	[smem:$0x3FAA] =	sst s0  }
0x9: {  	[smem:$0x3FAB] =	sst s1  }
0xa: {  	[smem:$0x3FAC] =	sst s2  }
0xb: {  	[smem:$0x3FAD] =	sst s3  }
0xc: {  	[smem:$0x3FAE] =	sst s4  }
0xd: {  	[smem:$0x3FAF] =	sst s5  }
0xe: {  	[smem:$0x3FB0] =	sst s6  }
0xf: {  	[smem:$0x3FB1] =	sst s7  }
0x10: {  	[smem:$0x3FB2] =	sst s8  }
0x11: {  	[smem:$0x3FB3] =	sst s9;
	s0 =	simm.s32 @!p0 $0x0  }
0x12: {  	s1 =	sld [smem:$0x3F99];
	s0 =	simm.s32 @p0 $0x1  }
0x13: {  	[smem:$0x3FB4] =	sst s0;
	s0 =	simm.s32 @!p1 $0x0  }
0x14: {  	s2 =	sld [smem:$0x3F98];
	s0 =	simm.s32 @p1 $0x1  }
0x15: {  	[smem:$0x3FB5] =	sst s0;
	s0 =	simm.s32 @!p2 $0x0  }
0x16: {  	s3 =	sld [smem:$0x3FDB];
	s0 =	simm.s32 @p2 $0x1  }
0x17: {  	s4 =	simm.s32 $0x1BF5;
	[smem:$0x3FB7] =	sst s0  }
0x18: {  	s0 =	sld [smem:$0x3F9A];
	_ =	swait.ge [sflag:s4], $0x0  }
0x19: {  	s7 =	sld [smem:$0x3F9B]  }
0x1a: {  	s8 =	sadd.s32 $0xFFFFE003, lr  }
0x1b: {  	s9 =	sadd.s32 $0xFFFFFEF7, lr;
	s5 =	simm.s32 $0xFFFFFFFF;
	p2 =	slt.u32 s8, $0xFFFFF086  }
0x1c: {  	p1 =	slt.u32 s9, $0xF7A;
	s5 =	simm.s32 @!p2 $0x0  }
0x1d: {  	s5 =	simm.s32 @p1 $0x1;
	p0 =	seq.s32 s7, s2  }
0x1e: {  	s7 =	smul.u32 @!p0 $0xF7A, s2;
	p2 =	seq.s32 @!p0 s5, $0x0  }
0x1f: {  	s9 =	smul.u32 $0xF7A, s1;
	s8 =	simm.s32 @!p0 $0x1BF5;
	p2 =	por !p2, p0  }
0x20: {  	[sflag:s8] =	ssyncset.s32 @!p0 $0xFFFFF086;
	s6 =	sadd.s32 @!p0 s3, s7;
	s7 =	simm.s32 @!p0 $0x108  }
0x21: {  	s3 =	sadd.s32 s3, s9;
	s6 =	sadd.s32 @!p0 $0x88, s6;
	s7 =	simm.s32 @p2 $0x1082  }
0x22: {  	[simem:s7], [sflag:s8] =	dma.local @!p0 [hbm:s6], $0xF7A  }
0x23: {  	s9 =	sor.u32 $0xD0000000, s2;
	s6 =	simm.s32 $0x108;
	_ =	swait.ge @!p0 [sflag:s8], $0x0  }
0x24: {  	s3 =	sadd.s32 $0x88, s3;
	s6 =	simm.s32 @!p1 $0x1082;
	[sflag:s4] =	ssyncset.s32 $0xFFFFF086  }
0x25: {  	[simem:s6], [sflag:s4] =	dma.local [hbm:s3], $0xF7A  }
0x26: {  	[smem:$0x3F9B] =	sst s1;
	(tag) =	ssettag s2;
	_ =	strace s9  }
0x27: {  	s1 =	sld [smem:$0x3FAB]  }
0x28: {  	s2 =	sld [smem:$0x3FAC]  }
0x29: {  	s4 =	sld [smem:$0x3FAE]  }
0x2a: {  	p0 =	seq.s32 s5, $0x0;
	s5 =	sld [smem:$0x3FAF]  }
0x2b: {  	s6 =	sld [smem:$0x3FB0]  }
0x2c: {  	s7 =	sld [smem:$0x3FB1]  }
0x2d: {  	s3 =	simm.s32 $0x108;
	s8 =	sld [smem:$0x3FB2]  }
0x2e: {  	s3 =	simm.s32 @!p0 $0x1082;
	s9 =	sld [smem:$0x3FB3]  }
0x2f: {  	lr =	sadd.s32 s0, s3;
	s0 =	sld [smem:$0x3FAA]  }
0x30: {  	s3 =	sld [smem:$0x3FAD]  }
0x31: {  	[smem:$0x3FB6] =	sst s10  }
0x32: {  	s10 =	sld [smem:$0x3FB4];
	_ =	sdelay $0x3  }
0x33: {  	p0 =	seq.s32 s10, $0x1;
	s10 =	sld [smem:$0x3FB6];
	_ =	sdelay $0x3  }
0x34: {  	[smem:$0x3FB6] =	sst s10  }
0x35: {  	s10 =	sld [smem:$0x3FB5];
	_ =	sdelay $0x3  }
0x36: {  	p1 =	seq.s32 s10, $0x1;
	s10 =	sld [smem:$0x3FB6];
	_ =	sdelay $0x3  }
0x37: {  	[smem:$0x3FB6] =	sst s10  }
0x38: {  	s10 =	sld [smem:$0x3FB7]  }
0x39: {  	_ = 	snop;
	(pc) =	sbr.ind lr, $3  }
0x3a: {  	_ = 	snop  }
0x3b: {  	_ = 	snop  }
0x3c: {  	p2 =	seq.s32 s10, $0x1;
	s10 =	sld [smem:$0x3FB6]  }
0x3d: {  	_ =	shalt  }
0x3e: {  	_ =	shalt  }
0x3f: {  	_ =	shalt  }
0x40: {  	_ =	shalt  }
0x41: {  	_ =	shalt  }
0x42: {  	_ =	shalt  }
0x43: {  	_ =	shalt  }
0x44: {  	_ =	shalt  }
0x45: {  	_ =	shalt  }
0x46: {  	_ =	shalt  }
0x47: {  	_ =	shalt  }
0x48: {  	_ =	shalt  }
0x49: {  	_ =	shalt  }
0x4a: {  	_ =	shalt  }
0x4b: {  	_ =	shalt  }
0x4c: {  	_ =	shalt  }
0x4d: {  	_ =	shalt  }
0x4e: {  	_ =	shalt  }
0x4f: {  	_ =	shalt  }
0x50: {  	_ =	shalt  }
0x51: {  	_ =	shalt  }
0x52: {  	_ =	shalt  }
0x53: {  	_ =	shalt  }
0x54: {  	_ =	shalt  }
0x55: {  	_ =	shalt  }
0x56: {  	_ =	shalt  }
0x57: {  	_ =	shalt  }
0x58: {  	_ =	shalt  }
0x59: {  	_ =	shalt  }
0x5a: {  	_ =	shalt  }
0x5b: {  	_ =	shalt  }
0x5c: {  	_ =	shalt  }
0x5d: {  	_ =	shalt  }
0x5e: {  	_ =	shalt  }
0x5f: {  	_ =	shalt  }
0x60: {  	_ =	shalt  }
0x61: {  	_ =	shalt  }
0x62: {  	_ =	shalt  }
0x63: {  	_ =	shalt  }
0x64: {  	_ =	shalt  }
0x65: {  	_ =	shalt  }
0x66: {  	_ =	shalt  }
0x67: {  	_ =	shalt  }
0x68: {  	_ =	shalt  }
0x69: {  	_ =	shalt  }
0x6a: {  	_ =	shalt  }
0x6b: {  	_ =	shalt  }
0x6c: {  	_ =	shalt  }
0x6d: {  	_ =	shalt  }
0x6e: {  	_ =	shalt  }
0x6f: {  	_ =	shalt  }
0x70: {  	_ =	shalt  }
0x71: {  	_ =	shalt  }
0x72: {  	_ =	shalt  }
0x73: {  	_ =	shalt  }
0x74: {  	_ =	shalt  }
0x75: {  	_ =	shalt  }
0x76: {  	_ =	shalt  }
0x77: {  	_ =	shalt  }
0x78: {  	_ =	shalt  }
0x79: {  	_ =	shalt  }
0x7a: {  	_ =	shalt  }
0x7b: {  	_ =	shalt  }
0x7c: {  	_ =	shalt  }
0x7d: {  	_ =	shalt  }
0x7e: {  	_ =	shalt  }
0x7f: {  	_ =	shalt  }
0x80: {  	_ =	shalt  }
0x81: {  	_ =	shalt  }
0x82: {  	_ =	shalt  }
0x83: {  	_ =	shalt  }
0x84: {  	_ =	shalt  }
0x85: {  	_ =	shalt  }
0x86: {  	_ =	shalt  }
0x87: {  	_ =	shalt  }
.Lfunc_end0:
.L_simem_size_0:
called_computation_lowered:
.L_overlay_start_0:
0x88: {  	s2 =	sld [smem:$0x3FD9]  }
0x89: {  	s3 =	sld [smem:$0x3FFE];
	_ =	sdelay $0x1  }
0x8a: {  	s1 =	srdreg.scid  }
0x8b: {  	s0 =	sand.u32 $0x1, s1  }
0x8c: {  	s17 =	sshll.u32 s0, $0xA;
	s2 =	sadd.s32 s3, s2  }
0x8d: {  	s2 =	sadd.s32 s2, s17  }
0x8e: {  	[smem:$0x3FC2] =	sst s2  }
0x8f: {  	_ = 	snop  }
0x90: {  	s2 =	sld [smem:$0x3FD0];
	(tm) =	ssettm $0x1  }
0x91: {  	s18 =	sld [smem:$0x3FFB];
	_ =	sdelay $0x3  }
0x92: {  	_ =	strace s18  }
0x93: {  	s3 =	sld [smem:$0x3FFC];
	_ =	sdelay $0x3  }
0x94: {  	_ =	strace s3  }
0x95: {  	s3 =	sld [smem:$0x3FFD];
	_ =	sdelay $0x3  }
0x96: {  	_ =	strace s3  }
0x97: {  	_ =	strace $0x8FFFFFFF  }
0x98: {  	s19 =	sld [smem:$0x3FDB];
	_ =	sdelay $0x1  }
0x99: {  	s4 =	simm.s32 $_scs_section_size  }
0x9a: {  	s5 =	simm.s32 $_size__tile_overlayer_lowered;
	s6 =	simm.s32 $_tile_overlayer_lowered  }
0x9b: {  	s22 =	simm.s32 $0x1BFF;
	s21 =	sshll.u32 s6, $0x1;
	s3 =	sadd.s32 s4, s19  }
0x9c: {  	s7 =	simm.s32 $0x0;
	s20 =	sshll.u32 s5, $0x1;
	s5 =	sadd.s32 s21, s3  }
0x9d: {  	[timem:s7], [sflag:s22] =	dma.local [hbm:s5], s20  }
0x9e: {  	_ =	swait.ge [sflag:s22], s20  }
0x9f: {  	s4 =	ssub.s32 $0x0, s20;
	[sflag:s22] =	ssyncset.done $0x0  }
0xa0: {  	[sflag:s22] =	ssyncadd.s32 s4;
	_ =	sdelay $0x1  }
0xa1: {  	s23 =	simm.s32 $0x1B8B  }
0xa2: {  	_ =	swait.ge [sflag:s23], $0x1  }
0xa3: {  	[sflag:s23] =	ssyncset.done $0x0  }
0xa4: {  	s25 =	simm.s32 $0x1B8E;
	s24 =	sld [smem:$0x3FFE];
	[sflag:s23] =	ssyncadd.s32 $0xFFFFFFFF  }
0xa5: {  	s26 =	simm.s32 $execute0_lowered;
	[smem:$0x3FD2] =	sst s25  }
0xa6: {  	s5 =	sshll.u32 s26, $0x1;
	_ =	strace $0x80000046;
	[dreg:$0x1] =	wrdreg $0xFFFFFFFF  }
0xa7: {  	s28 =	simm.s32 $_size_execute0_lowered;
	s3 =	sadd.s32 s3, s5;
	[dreg:$0x0] =	wrdreg $0x0  }
0xa8: {  	s5 =	sshll.u32 s28, $0x1;
	[dreg:$0x2] =	wrdreg s3  }
0xa9: {  	[dreg:$0x3] =	wrdreg s5  }
0xaa: {  	[dreg:$0x4] =	wrdreg $0xC0  }
0xab: {  	_ =	task [dreg:s7], $0x5FFFF  }
0xac: {  	[dreg:$0x1] =	wrdreg $0xFFFFFFFF  }
0xad: {  	[dreg:$0x0] =	wrdreg $0x60  }
0xae: {  	[dreg:$0x2] =	wrdreg s2  }
0xaf: {  	[dreg:$0x3] =	wrdreg s24  }
0xb0: {  	[dreg:$0x4] =	wrdreg $0x30000  }
0xb1: {  	[dreg:$0x5] =	wrdreg $0x9  }
0xb2: {  	_ =	task.clear_ibuf [dreg:s7], $0x6FFFF;
	_ =	strace $0x90000046  }
0xb3: {  	s29 =	simm.s32 $0x9;
	_ =	strace $0x80000048  }
0xb4: {  	_ =	swait.ge [sflag:s29], $0x1  }
0xb5: {  	[sflag:s29] =	ssyncadd.s32 $0xFFFFFFFF  }
0xb6: {  	_ =	strace $0x90000048  }
0xb7: {  	_ =	sfence  }
0xb8: {  	s30 =	sld [smem:$0x0];
	_ =	sdelay $0x2  }
0xb9: {  	s31 =	sshll.u32 s1, $0xD;
	s1 =	sshrl.u32 s1, $0x2  }
0xba: {  	s3 =	sand.u32 $0x4000, s31;
	s1 =	sadd.s32 s1, s30  }
0xbb: {  	s0 =	sor.u32 s3, s0;
	s1 =	sshll.u32 s1, $0x11  }
0xbc: {  	s0 =	sor.u32 s1, s0  }
0xbd: {  	s0 =	sadd.s32 $0x8F2B, s0  }
0xbe: {  	[sflag:s0] =	ssyncadd.remote.s32 $0x1  }
0xbf: {  	_ =	sfence.sel $0xFFFF  }
0xc0: {  	[dreg:$0x0] =	wrdreg $0xFFFFFFFF;
	(pc) =	sbr.abs _section_cstart, $3  }
0xc1: {  	[dreg:$0x1] =	wrdreg $0xFFFFFFFF  }
0xc2: {  	_ =	task.clear_ibuf [dreg:s7], $0x2FFFF;
	_ =	strace $0x9FFFFFFF  }
0xc3: {  	(tm) =	ssettm $0x7FFFFFFF  }
tec
execute0_lowered:
.L_overlay_start_1:
0x0: {  	(tag) =	ssettag $0x1  }
0x1: {  	s5 =	rddreg [dreg:$0x0]  }
0x2: {  	s4 =	rddreg [dreg:$0x1];
	s0 =	srdreg.scid  }
0x3: {  	s2 =	rddreg [dreg:$0x2];
	s1 =	stileid.u32  }
0x4: {  	s3 =	simm.s32 $0x0;
	s12 =	simm.s32 $0x2800;
	s13 =	simm.s32 $0x1  }
0x5: {  	s6 =	sand.u32 $0x1, s0;
	s0 =	rddreg [dreg:$0x3];
	s8 =	smul.u32 $0x2800, s1  }
0x6: {  	s14 =	simm.s32 $0x80;
	[smem:$0x7FF] =	sst s3;
	s10 =	smul.u32 $0xA000, s1  }
0x7: {  	s15 =	sshll.u32 s1, $0x6;
	s7 =	smul.u32 $0x28000, s6;
	_ =	strace $0x80000047  }
0x8: {  	s9 =	sshll.u32 s6, $0x4;
	s6 =	ssub.s32 $0x2, s6;
	s15 =	sor.u32 $0x1C01, s15  }
0x9: {  	s9 =	sor.u32 s1, s9;
	s11 =	sshrl.u32 s6, $0x1;
	s31 =	sshrl.u32 s10, $0x2  }
0xa: {  	s16 =	sadd.s32 s8, s2;
	s7 =	sadd.s32 s8, s7;
	s9 =	smul.u32 $0x500, s9  }
0xb: {  	s11 =	ssub.s32 s6, s11;
	s16 =	sshrl.u32 s16, $0x3;
	s7 =	sshrl.u32 s7, $0x3  }
0xc: {  	s7 =	sadd.s32 s7, s4;
	s4 =	sadd.s32 s31, s2;
	s5 =	sadd.s32 s5, s9  }
0xd: {  	s6 =	sadd.s32 $0x1A00, s7;
	s7 =	smax.u32 s11, $0x1;
	s8 =	sadd.s32 $0x800, s4  }
0xe: {  	v0 =	vimm.f32 $0.0e+00;
	v1 =	vimm.f32 $1.000000000e+00;
	s9 =	sadd.s32 $0x1000, s4;
	s10 =	sadd.s32 $0x1800, s4;
	s11 =	sadd.s32 $0x2000, s4  }
.LBB2_1:
0xf: {  	s17 =	simm.s32 $0x40;
	s18 =	simm.s32 $0x0  }
.LBB2_2:
0x10: {  	p0 =	sne.s32 s17, $0x1FC0;
	[tilespmem:s18+$0x2800] =	vst v0;
	s18 =	smov.u32 s17;
	s17 =	sadd.s32 $0x40, s17  }
.Ltmp0:
0x11: {  	(pc) =	sbr.rel @p0 .LBB2_2-.Ltmp0, $2  }
0x12: {  	_ =	sdelay $0x2  }
0x13: {  	s18 =	sshra.s32 s18, $0x2  }
0x14: {  	[tilespmem:s18+$0x2800] =	vst v0  }
0x15: {  	[spmem:s4] =	stream.linear.scatter [tilespmem:s12], [sflag:$0x1], $0x800, $0x38;
	[tilespmem:$0x5800] =	vst v63  }
0x16: {  	_ =	swait.ge [sflag:s13], $0x800  }
0x17: {  	[sflag:s13] =	ssyncset.done $0x0  }
0x18: {  	[sflag:s13] =	ssyncadd.s32 $0xFFFFF800  }
0x19: {  	[spmem:s8] =	stream.linear.scatter [tilespmem:s12], [sflag:$0x1], $0x800, $0x38;
	[tilespmem:$0x5800] =	vst v63  }
0x1a: {  	_ =	swait.ge [sflag:s13], $0x800  }
0x1b: {  	[sflag:s13] =	ssyncset.done $0x0  }
0x1c: {  	[sflag:s13] =	ssyncadd.s32 $0xFFFFF800  }
0x1d: {  	[spmem:s9] =	stream.linear.scatter [tilespmem:s12], [sflag:$0x1], $0x800, $0x38;
	[tilespmem:$0x5800] =	vst v63  }
0x1e: {  	_ =	swait.ge [sflag:s13], $0x800  }
0x1f: {  	[sflag:s13] =	ssyncset.done $0x0  }
0x20: {  	[sflag:s13] =	ssyncadd.s32 $0xFFFFF800  }
0x21: {  	[spmem:s10] =	stream.linear.scatter [tilespmem:s12], [sflag:$0x1], $0x800, $0x38;
	[tilespmem:$0x5800] =	vst v63  }
0x22: {  	_ =	swait.ge [sflag:s13], $0x800  }
0x23: {  	[sflag:s13] =	ssyncset.done $0x0  }
0x24: {  	[sflag:s13] =	ssyncadd.s32 $0xFFFFF800  }
0x25: {  	[spmem:s11] =	stream.linear.scatter [tilespmem:s12], [sflag:$0x1], $0x800, $0x38;
	[tilespmem:$0x5800] =	vst v63  }
0x26: {  	_ =	swait.ge [sflag:s13], $0x800  }
0x27: {  	[sflag:s13] =	ssyncset.done $0x0  }
0x28: {  	s17 =	simm.s32 $0x40;
	s18 =	simm.s32 $0x0;
	[sflag:s13] =	ssyncadd.s32 $0xFFFFF800  }
.LBB2_4:
0x29: {  	p0 =	sne.s32 s17, $0x1FC0;
	[tilespmem:s18+$0x2800] =	vst v1;
	s18 =	smov.u32 s17;
	s17 =	sadd.s32 $0x40, s17  }
.Ltmp1:
0x2a: {  	(pc) =	sbr.rel @p0 .LBB2_4-.Ltmp1, $2  }
0x2b: {  	_ =	sdelay $0x2  }
0x2c: {  	s18 =	sshra.s32 s18, $0x2  }
0x2d: {  	[tilespmem:s18+$0x2800] =	vst v1;
	s17 =	simm.s32 $0x0  }
0x2e: {  	[tilespmem:s17], [sflag:$0x1] =	stream.linear.gather [hbm4b:s5+s17], $0x2800, $0x38;
	[tilespmem:$0x5800] =	vst v63  }
0x2f: {  	_ =	swait.ge [sflag:s13], $0x2800  }
0x30: {  	[sflag:s13] =	ssyncset.done $0x0  }
0x31: {  	[sflag:s13] =	ssyncadd.s32 $0xFFFFD800  }
0x32: {  	s31 =	simm.s32 $0x0;
	[bflag:$0x0] =	sbarrier.arrive $0xFFFF  }
0x33: {  	[spmem:s2] =	stream.indirect.scatter.add.f32 [tilespmem:s12], [sflag:$0x1], $0x10, s31, s14, $0xb8;
	[tilespmem:$0x5800] =	vst v63  }
0x34: {  	_ =	swait.ge [sflag:s13], $0x800  }
0x35: {  	s17 =	simm.s32 $0x200;
	[sflag:s13] =	ssyncset.done $0x0  }
.LBB2_6:
0x36: {  	s18 =	sshra.s32 s17, $0x2;
	[sflag:s13] =	ssyncadd.s32 $0xFFFFF800;
	p0 =	sne.s32 s17, $0x9E00  }
0x37: {  	[spmem:s2] =	stream.indirect.scatter.add.f32 [tilespmem:s12], [sflag:$0x1], $0x10, s18, s14, $0xb8;
	[tilespmem:$0x5800] =	vst v63  }
.Ltmp2:
0x38: {  	_ = 	snop;
	(pc) =	sbr.rel @p0 .LBB2_6-.Ltmp2, $4  }
0x39: {  	_ = 	snop  }
0x3a: {  	s17 =	sadd.s32 $0x200, s17  }
0x3b: {  	_ =	swait.ge [sflag:s13], $0x800  }
0x3c: {  	[sflag:s13] =	ssyncset.done $0x0  }
0x3d: {  	s3 =	sadd.s32 $0x1, s3  }
0x3e: {  	[sflag:s13] =	ssyncadd.s32 $0xFFFFF800;
	p0 =	sne.s32 s3, s7  }
.Ltmp3:
0x3f: {  	[bflag:$0x0] =	sbarrier.arrive $0xFFFF;
	(pc) =	sbr.rel @p0 .LBB2_1-.Ltmp3, $4  }
0x40: {  	[hbm:s6], [sflag:s15] =	dma.local [spmem:s16], $0x500  }
0x41: {  	_ =	swait.ge [sflag:s13], $0x500  }
0x42: {  	[sflag:s13] =	ssyncset.done $0x0  }
0x43: {  	[sflag:s13] =	ssyncadd.s32 $0xFFFFFB00  }
0x44: {  	_ =	sfence.sel $0x180000  }
0x45: {  	[bflag:$0x0] =	sbarrier.arrive $0xFFFF  }
0x46: {  	p0 =	sne.s32 s1, $0x0;
	_ =	strace $0x90000047  }
0x47: {  	s0 =	sadd.s32 @!p0 $0x100000, s0;
	[bflag:$0x2] =	sbarrier.arrive $0xFFFF  }
0x48: {  	[sflag:s0] =	ssyncadd.tile.s32 @!p0 $0x1;
	_ =	shalt  }
.Lfunc_end2:
_tile_overlayer_lowered:
.L_overlay_start_2:
0x49: {  	(tag) =	ssettag $0x2  }
0x4a: {  	s0 =	rddreg [dreg:$0x0];
	s2 =	stileid.u32  }
0x4b: {  	s1 =	rddreg [dreg:$0x1];
	p0 =	sne.s32 s2, $0x0  }
0x4c: {  	s3 =	rddreg [dreg:$0x2];
	[bflag:$0x3] =	sbarrier.arrive $0xFFFF;
	s2 =	simm.s32 @!p0 $0x1C01  }
0x4d: {  	[timem:s3], [sflag:s2] =	dma.local @!p0 [hbm:s0], s1  }
0x4e: {  	s0 =	simm.s32 @!p0 $0x1  }
0x4f: {  	_ =	swait.ge @!p0 [sflag:s0], s1  }
0x50: {  	s1 =	ssub.s32 @!p0 $0x0, s1;
	[sflag:s0] =	ssyncset.done @!p0 $0x0  }
0x51: {  	[sflag:s0] =	ssyncadd.s32 @!p0 s1  }
0x52: {  	[bflag:$0x3] =	sbarrier.arrive $0xFFFF  }
0x53: {  	_ =	shalt  }

</sc_bundles>
